<compile_context>
chip_gen: v7x
topology: tpu7x:2x2x1
jax: 0.10.2.dev20260603
libtpu: 0.0.44.dev20260713+nightly
codegen_flags: <defaults>
</compile_context>

<pallas_src>
import functools
import jax
import jax.numpy as jnp
from jax import lax
from jax.experimental import pallas as pl
from jax.experimental.pallas import tpu as pltpu
from jax.experimental.pallas import tpu_sc as plsc

_B = 4096
_F = 26
_CARD = 1000
_W = _F * _CARD
_NC = 2
_NS = 16
_NW = _NC * _NS
_BPW = _B // _NW
_RPW = _BPW * _F
_NB = 4
_NCHUNK = _BPW // _NB
_ROWS_PER_CHUNK = _NB * _F
_GROUP_STARTS = (0, 16, 32, 48, 64, 80, 88)


@functools.partial(
    pl.kernel,
    mesh=plsc.VectorSubcoreMesh(core_axis_name="c", subcore_axis_name="s"),
    out_type=jax.ShapeDtypeStruct((_B, _W), jnp.float32),
    scratch_types=[
        pltpu.VMEM((_RPW,), jnp.int32),
        pltpu.VMEM((_NB, _W), jnp.float32),
    ],
    compiler_params=pltpu.CompilerParams(
        use_tc_tiling_on_sc=False, needs_layout_passes=False, skip_device_barrier=True
    ),
)
def _sc_onehot(xe_hbm, out_hbm, idx_v, buf):
    wid = lax.axis_index("s") * _NC + lax.axis_index("c")
    base_row = wid * _RPW
    pltpu.sync_copy(xe_hbm.at[pl.ds(base_row, _RPW)], idx_v)

    zeros16 = jnp.zeros((16,), jnp.float32)
    ones16 = jnp.ones((16,), jnp.float32)
    riota = lax.iota(jnp.int32, 16)

    def zbody(i, carry):
        r = i // (_W // 16)
        k = i % (_W // 16)
        buf[r, pl.ds(pl.multiple_of(k * 16, 16), 16)] = zeros16
        return carry

    lax.fori_loop(0, _NB * (_W // 16), zbody, 0)

    def chunk_body(c, carry):
        for g in _GROUP_STARTS:
            vals = idx_v[pl.ds(c * _ROWS_PER_CHUNK + g, 16)]
            rloc = g + riota
            rows = rloc // _F
            cols = (rloc % _F) * _CARD + vals
            plsc.store_scatter(buf, [rows, cols], ones16)
        pltpu.sync_copy(
            buf, out_hbm.at[pl.ds(wid * _BPW + c * _NB, _NB), :]
        )
        for g in _GROUP_STARTS:
            vals = idx_v[pl.ds(c * _ROWS_PER_CHUNK + g, 16)]
            rloc = g + riota
            rows = rloc // _F
            cols = (rloc % _F) * _CARD + vals
            plsc.store_scatter(buf, [rows, cols], zeros16)
        return carry

    lax.fori_loop(0, _NCHUNK, chunk_body, 0)


def kernel(xe):
    return _sc_onehot(xe.reshape(-1))

# --- scband reference (transcript-rebuilt; emitter-appended) ---
"""Pipeline reference for scband-one-hot-transform-72430328480084 (READ-ONLY COPY).

The authoritative reference and input builder live on the scoring server;
editing this copy changes nothing except your own understanding.
"""

import jax, jax.numpy as jnp
import numpy as np

NUM_UNIQS = [1000] * 26

def setup_inputs(seed: int = 0) -> dict:
    key = jax.random.key(seed)
    xe = jax.random.randint(key, (4096, 26), 0, 1000, dtype=jnp.int64 if jax.config.jax_enable_x64 else jnp.int32)
    return {"xe": xe}

def reference(xe) -> jnp.ndarray:
    # Faithful translation of OneHotTransform.forward:
    # torch.cat([F.one_hot(xe[:, i].long(), num_uniqs[i]) for i in range(xe.shape[1])], dim=1).float()
    parts = [jax.nn.one_hot(xe[:, i], NUM_UNIQS[i], dtype=jnp.float32) for i in range(xe.shape[1])]
    return jnp.concatenate(parts, axis=1)

if __name__ == "__main__":
    import jax
    _d = setup_inputs()
    print(jax.jit(kernel)(*tuple(_d.values())))

</pallas_src>

<mosaic_0001>
#map = affine_map<(d0, d1) -> (0)>
#map1 = affine_map<(d0, d1) -> (0, 0)>
module attributes {stable_mosaic.version = 14 : i64} {
  func.func @_sc_onehot(%arg0: i32, %arg1: i32, %arg2: memref<106496xi32, #tpu.memory_space<hbm>>, %arg3: memref<4096x26000xf32, #tpu.memory_space<hbm>>, %arg4: memref<3328xi32, #tpu.memory_space<vmem>>, %arg5: memref<4x26000xf32, #tpu.memory_space<vmem>>) attributes {dimension_semantics = [#tpu.dimension_semantics<core_parallel>, #tpu.dimension_semantics<subcore_parallel>], iteration_bounds = array<i64: 2, 16>, scalar_prefetch = 0 : i64, scratch_operands = 2 : i64, tpu.core_type = #tpu.core_type<sc_vector_subcore>, window_params = [{transform_indices = #map}, {transform_indices = #map1}]} {
    %mul3A = arith.constant 2 : i32
    %mul3A_0 = arith.muli %arg1, %mul3A : i32
    %add3A = arith.addi %mul3A_0, %arg0 : i32
    %mul3A_1 = arith.constant 3328 : i32
    %mul3A_2 = arith.muli %add3A, %mul3A_1 : i32
    "tpu.region"() ({
      %run_scoped3A = tpu.sem_alloc : memref<!tpu.dma_semaphore, #tpu.memory_space<semaphore_mem>>
      %dma_start3A = tpu.memref_slice %arg2[%mul3A_2] : memref<106496xi32, #tpu.memory_space<hbm>> -> memref<3328xi32, #tpu.memory_space<hbm>>
      %dma_start3A_17 = tpu.memref_slice %arg2[%mul3A_2] : memref<106496xi32, #tpu.memory_space<hbm>> -> memref<3328xi32, #tpu.memory_space<hbm>>
      tpu.enqueue_dma source(%dma_start3A_17 : memref<3328xi32, #tpu.memory_space<hbm>>) target(%arg4 : memref<3328xi32, #tpu.memory_space<vmem>>) target_semaphore(%run_scoped3A : memref<!tpu.dma_semaphore, #tpu.memory_space<semaphore_mem>>)
      %dma_wait3A = tpu.memref_slice %arg2[%mul3A_2] : memref<106496xi32, #tpu.memory_space<hbm>> -> memref<3328xi32, #tpu.memory_space<hbm>>
      %dma_wait3A_18 = tpu.memref_slice %arg2[%mul3A_2] : memref<106496xi32, #tpu.memory_space<hbm>> -> memref<3328xi32, #tpu.memory_space<hbm>>
      tpu.wait_dma2 semaphore(%run_scoped3A : memref<!tpu.dma_semaphore, #tpu.memory_space<semaphore_mem>>) src(%dma_wait3A_18 : memref<3328xi32, #tpu.memory_space<hbm>>) dst(%arg4 : memref<3328xi32, #tpu.memory_space<vmem>>)
      tpu.yield
    }) : () -> ()
    %broadcast_in_dim3A = arith.constant 0.000000e+00 : f32
    %broadcast_in_dim3A_3 = vector.broadcast %broadcast_in_dim3A : f32 to vector<16xf32>
    %broadcast_in_dim3A_4 = arith.constant 1.000000e+00 : f32
    %broadcast_in_dim3A_5 = vector.broadcast %broadcast_in_dim3A_4 : f32 to vector<16xf32>
    %iota3A = tpu.iota {dimensions = array<i32: 0>} : vector<16xi32>
    %scan3A = arith.constant 0 : i32
    %scan3A_6 = arith.constant 0 : i32
    %scan3A_7 = arith.constant 6500 : i32
    %scan3A_8 = arith.addi %scan3A_6, %scan3A_7 : i32
    %scan3A_9 = arith.constant 1 : i32
    scf.for %scan3A_17 = %scan3A_6 to %scan3A_8 step %scan3A_9  : i32 {
      %jit3A = arith.constant 1625 : i32
      %div3A = arith.divsi %scan3A_17, %jit3A : i32
      %sign3A = arith.constant 0 : i32
      %sign3A_18 = arith.cmpi sgt, %scan3A_17, %sign3A : i32
      %sign3A_19 = arith.extui %sign3A_18 : i1 to i32
      %sign3A_20 = arith.constant 0 : i32
      %sign3A_21 = arith.cmpi slt, %scan3A_17, %sign3A_20 : i32
      %sign3A_22 = arith.extui %sign3A_21 : i1 to i32
      %sign3A_23 = arith.subi %sign3A_19, %sign3A_22 : i32
      %sign3A_24 = arith.constant 0 : i32
      %sign3A_25 = arith.cmpi sgt, %jit3A, %sign3A_24 : i32
      %sign3A_26 = arith.extui %sign3A_25 : i1 to i32
      %sign3A_27 = arith.constant 0 : i32
      %sign3A_28 = arith.cmpi slt, %jit3A, %sign3A_27 : i32
      %sign3A_29 = arith.extui %sign3A_28 : i1 to i32
      %sign3A_30 = arith.subi %sign3A_26, %sign3A_29 : i32
      %ne3A = arith.cmpi ne, %sign3A_23, %sign3A_30 : i32
      %rem3A = arith.remsi %scan3A_17, %jit3A : i32
      %ne3A_31 = arith.constant 0 : i32
      %ne3A_32 = arith.cmpi ne, %rem3A, %ne3A_31 : i32
      %and3A = arith.andi %ne3A, %ne3A_32 : i1
      %sub3A = arith.constant 1 : i32
      %sub3A_33 = arith.subi %div3A, %sub3A : i32
      %select_n3A = arith.select %and3A, %sub3A_33, %div3A : i32
      %jit3A_34 = arith.constant 1625 : i32
      %eq3A = arith.constant 0 : i32
      %eq3A_35 = arith.cmpi eq, %jit3A_34, %eq3A : i32
      %jit3A_36 = arith.constant 1 : i32
      %select_n3A_37 = arith.select %eq3A_35, %jit3A_36, %jit3A_34 : i32
      %rem3A_38 = arith.remsi %scan3A_17, %select_n3A_37 : i32
      %ne3A_39 = arith.constant 0 : i32
      %ne3A_40 = arith.cmpi ne, %rem3A_38, %ne3A_39 : i32
      %lt3A = arith.constant 0 : i32
      %lt3A_41 = arith.cmpi slt, %rem3A_38, %lt3A : i32
      %lt3A_42 = arith.constant 0 : i32
      %lt3A_43 = arith.cmpi slt, %select_n3A_37, %lt3A_42 : i32
      %ne3A_44 = arith.xori %lt3A_41, %lt3A_43 : i1
      %and3A_45 = arith.andi %ne3A_44, %ne3A_40 : i1
      %add3A_46 = arith.addi %rem3A_38, %select_n3A_37 : i32
      %select_n3A_47 = arith.select %and3A_45, %add3A_46, %rem3A_38 : i32
      %mul3A_48 = arith.constant 16 : i32
      %mul3A_49 = arith.muli %select_n3A_47, %mul3A_48 : i32
      %multiple_of3A = tpu.assume_multiple %mul3A_49, 16 : i32
      %swap3A = arith.index_cast %select_n3A : i32 to index
      %swap3A_50 = arith.index_cast %multiple_of3A : i32 to index
      %swap3A_51 = tpu.vector_load %arg5[%swap3A, %swap3A_50] {strides = array<i32>} : memref<4x26000xf32, #tpu.memory_space<vmem>>, vector<16xf32>,
      tpu.vector_store %arg5[%swap3A, %swap3A_50], %broadcast_in_dim3A_3 {strides = array<i32>} : memref<4x26000xf32, #tpu.memory_space<vmem>>, vector<16xf32>,
    }
    %scan3A_10 = arith.constant 6500 : i32
    %scan3A_11 = arith.constant 0 : i32
    %scan3A_12 = arith.constant 0 : i32
    %scan3A_13 = arith.constant 32 : i32
    %scan3A_14 = arith.addi %scan3A_12, %scan3A_13 : i32
    %scan3A_15 = arith.constant 1 : i32
    scf.for %scan3A_17 = %scan3A_12 to %scan3A_14 step %scan3A_15  : i32 {
      %mul3A_18 = arith.constant 104 : i32
      %mul3A_19 = arith.muli %scan3A_17, %mul3A_18 : i32
      %add3A_20 = arith.constant 0 : i32
      %add3A_21 = arith.addi %mul3A_19, %add3A_20 : i32
      %get3A = arith.index_cast %add3A_21 : i32 to index
      %get3A_22 = tpu.vector_load %arg4[%get3A] {strides = array<i32>} : memref<3328xi32, #tpu.memory_space<vmem>>, vector<16xi32>,
      %add3A_23 = arith.constant 0 : i32
      %add3A_24 = vector.broadcast %add3A_23 : i32 to vector<16xi32>
      %add3A_25 = arith.addi %add3A_24, %iota3A : vector<16xi32>
      %jit3A = arith.constant 26 : i32
      %div3A = vector.broadcast %jit3A : i32 to vector<16xi32>
      %div3A_26 = arith.divsi %add3A_25, %div3A : vector<16xi32>
      %sign3A = arith.constant 0 : i32
      %sign3A_27 = vector.broadcast %sign3A : i32 to vector<16xi32>
      %sign3A_28 = arith.cmpi sgt, %add3A_25, %sign3A_27 : vector<16xi32>
      %sign3A_29 = arith.extui %sign3A_28 : vector<16xi1> to vector<16xi32>
      %sign3A_30 = arith.constant 0 : i32
      %sign3A_31 = vector.broadcast %sign3A_30 : i32 to vector<16xi32>
      %sign3A_32 = arith.cmpi slt, %add3A_25, %sign3A_31 : vector<16xi32>
      %sign3A_33 = arith.extui %sign3A_32 : vector<16xi1> to vector<16xi32>
      %sign3A_34 = arith.subi %sign3A_29, %sign3A_33 : vector<16xi32>
      %sign3A_35 = arith.constant 0 : i32
      %sign3A_36 = arith.cmpi sgt, %jit3A, %sign3A_35 : i32
      %sign3A_37 = arith.extui %sign3A_36 : i1 to i32
      %sign3A_38 = arith.constant 0 : i32
      %sign3A_39 = arith.cmpi slt, %jit3A, %sign3A_38 : i32
      %sign3A_40 = arith.extui %sign3A_39 : i1 to i32
      %sign3A_41 = arith.subi %sign3A_37, %sign3A_40 : i32
      %ne3A = vector.broadcast %sign3A_41 : i32 to vector<16xi32>
      %ne3A_42 = arith.cmpi ne, %sign3A_34, %ne3A : vector<16xi32>
      %rem3A = vector.broadcast %jit3A : i32 to vector<16xi32>
      %rem3A_43 = arith.remsi %add3A_25, %rem3A : vector<16xi32>
      %ne3A_44 = arith.constant 0 : i32
      %ne3A_45 = vector.broadcast %ne3A_44 : i32 to vector<16xi32>
      %ne3A_46 = arith.cmpi ne, %rem3A_43, %ne3A_45 : vector<16xi32>
      %and3A = arith.andi %ne3A_42, %ne3A_46 : vector<16xi1>
      %sub3A = arith.constant 1 : i32
      %sub3A_47 = vector.broadcast %sub3A : i32 to vector<16xi32>
      %sub3A_48 = arith.subi %div3A_26, %sub3A_47 : vector<16xi32>
      %select_n3A = arith.select %and3A, %sub3A_48, %div3A_26 : vector<16xi1>, vector<16xi32>
      %jit3A_49 = arith.constant 26 : i32
      %eq3A = arith.constant 0 : i32
      %eq3A_50 = arith.cmpi eq, %jit3A_49, %eq3A : i32
      %jit3A_51 = arith.constant 1 : i32
      %select_n3A_52 = arith.select %eq3A_50, %jit3A_51, %jit3A_49 : i32
      %rem3A_53 = vector.broadcast %select_n3A_52 : i32 to vector<16xi32>
      %rem3A_54 = arith.remsi %add3A_25, %rem3A_53 : vector<16xi32>
      %ne3A_55 = arith.constant 0 : i32
      %ne3A_56 = vector.broadcast %ne3A_55 : i32 to vector<16xi32>
      %ne3A_57 = arith.cmpi ne, %rem3A_54, %ne3A_56 : vector<16xi32>
      %lt3A = arith.constant 0 : i32
      %lt3A_58 = vector.broadcast %lt3A : i32 to vector<16xi32>
      %lt3A_59 = arith.cmpi slt, %rem3A_54, %lt3A_58 : vector<16xi32>
      %lt3A_60 = arith.constant 0 : i32
      %lt3A_61 = arith.cmpi slt, %select_n3A_52, %lt3A_60 : i32
      %ne3A_62 = vector.broadcast %lt3A_61 : i1 to vector<16xi1>
      %ne3A_63 = vector.broadcast %ne3A_62 : vector<16xi1> to vector<16xi1>
      %ne3A_64 = arith.xori %lt3A_59, %ne3A_63 : vector<16xi1>
      %and3A_65 = arith.andi %ne3A_64, %ne3A_57 : vector<16xi1>
      %add3A_66 = vector.broadcast %select_n3A_52 : i32 to vector<16xi32>
      %add3A_67 = arith.addi %rem3A_54, %add3A_66 : vector<16xi32>
      %select_n3A_68 = arith.select %and3A_65, %add3A_67, %rem3A_54 : vector<16xi1>, vector<16xi32>
      %mul3A_69 = arith.constant 1000 : i32
      %mul3A_70 = vector.broadcast %mul3A_69 : i32 to vector<16xi32>
      %mul3A_71 = arith.muli %select_n3A_68, %mul3A_70 : vector<16xi32>
      %add3A_72 = arith.addi %mul3A_71, %get3A_22 : vector<16xi32>
      tpu.vector_store_idx %arg5[%select_n3A, %add3A_72], %broadcast_in_dim3A_5 : memref<4x26000xf32, #tpu.memory_space<vmem>>[vector<16xi32>, vector<16xi32>], vector<16xf32>,
      %mul3A_73 = arith.constant 104 : i32
      %mul3A_74 = arith.muli %scan3A_17, %mul3A_73 : i32
      %add3A_75 = arith.constant 16 : i32
      %add3A_76 = arith.addi %mul3A_74, %add3A_75 : i32
      %get3A_77 = arith.index_cast %add3A_76 : i32 to index
      %get3A_78 = tpu.vector_load %arg4[%get3A_77] {strides = array<i32>} : memref<3328xi32, #tpu.memory_space<vmem>>, vector<16xi32>,
      %add3A_79 = arith.constant 16 : i32
      %add3A_80 = vector.broadcast %add3A_79 : i32 to vector<16xi32>
      %add3A_81 = arith.addi %add3A_80, %iota3A : vector<16xi32>
      %jit3A_82 = arith.constant 26 : i32
      %div3A_83 = vector.broadcast %jit3A_82 : i32 to vector<16xi32>
      %div3A_84 = arith.divsi %add3A_81, %div3A_83 : vector<16xi32>
      %sign3A_85 = arith.constant 0 : i32
      %sign3A_86 = vector.broadcast %sign3A_85 : i32 to vector<16xi32>
      %sign3A_87 = arith.cmpi sgt, %add3A_81, %sign3A_86 : vector<16xi32>
      %sign3A_88 = arith.extui %sign3A_87 : vector<16xi1> to vector<16xi32>
      %sign3A_89 = arith.constant 0 : i32
      %sign3A_90 = vector.broadcast %sign3A_89 : i32 to vector<16xi32>
      %sign3A_91 = arith.cmpi slt, %add3A_81, %sign3A_90 : vector<16xi32>
      %sign3A_92 = arith.extui %sign3A_91 : vector<16xi1> to vector<16xi32>
      %sign3A_93 = arith.subi %sign3A_88, %sign3A_92 : vector<16xi32>
      %sign3A_94 = arith.constant 0 : i32
      %sign3A_95 = arith.cmpi sgt, %jit3A_82, %sign3A_94 : i32
      %sign3A_96 = arith.extui %sign3A_95 : i1 to i32
      %sign3A_97 = arith.constant 0 : i32
      %sign3A_98 = arith.cmpi slt, %jit3A_82, %sign3A_97 : i32
      %sign3A_99 = arith.extui %sign3A_98 : i1 to i32
      %sign3A_100 = arith.subi %sign3A_96, %sign3A_99 : i32
      %ne3A_101 = vector.broadcast %sign3A_100 : i32 to vector<16xi32>
      %ne3A_102 = arith.cmpi ne, %sign3A_93, %ne3A_101 : vector<16xi32>
      %rem3A_103 = vector.broadcast %jit3A_82 : i32 to vector<16xi32>
      %rem3A_104 = arith.remsi %add3A_81, %rem3A_103 : vector<16xi32>
      %ne3A_105 = arith.constant 0 : i32
      %ne3A_106 = vector.broadcast %ne3A_105 : i32 to vector<16xi32>
      %ne3A_107 = arith.cmpi ne, %rem3A_104, %ne3A_106 : vector<16xi32>
      %and3A_108 = arith.andi %ne3A_102, %ne3A_107 : vector<16xi1>
      %sub3A_109 = arith.constant 1 : i32
      %sub3A_110 = vector.broadcast %sub3A_109 : i32 to vector<16xi32>
      %sub3A_111 = arith.subi %div3A_84, %sub3A_110 : vector<16xi32>
      %select_n3A_112 = arith.select %and3A_108, %sub3A_111, %div3A_84 : vector<16xi1>, vector<16xi32>
      %jit3A_113 = arith.constant 26 : i32
      %eq3A_114 = arith.constant 0 : i32
      %eq3A_115 = arith.cmpi eq, %jit3A_113, %eq3A_114 : i32
      %jit3A_116 = arith.constant 1 : i32
      %select_n3A_117 = arith.select %eq3A_115, %jit3A_116, %jit3A_113 : i32
      %rem3A_118 = vector.broadcast %select_n3A_117 : i32 to vector<16xi32>
      %rem3A_119 = arith.remsi %add3A_81, %rem3A_118 : vector<16xi32>
      %ne3A_120 = arith.constant 0 : i32
      %ne3A_121 = vector.broadcast %ne3A_120 : i32 to vector<16xi32>
      %ne3A_122 = arith.cmpi ne, %rem3A_119, %ne3A_121 : vector<16xi32>
      %lt3A_123 = arith.constant 0 : i32
      %lt3A_124 = vector.broadcast %lt3A_123 : i32 to vector<16xi32>
      %lt3A_125 = arith.cmpi slt, %rem3A_119, %lt3A_124 : vector<16xi32>
      %lt3A_126 = arith.constant 0 : i32
      %lt3A_127 = arith.cmpi slt, %select_n3A_117, %lt3A_126 : i32
      %ne3A_128 = vector.broadcast %lt3A_127 : i1 to vector<16xi1>
      %ne3A_129 = vector.broadcast %ne3A_128 : vector<16xi1> to vector<16xi1>
      %ne3A_130 = arith.xori %lt3A_125, %ne3A_129 : vector<16xi1>
      %and3A_131 = arith.andi %ne3A_130, %ne3A_122 : vector<16xi1>
      %add3A_132 = vector.broadcast %select_n3A_117 : i32 to vector<16xi32>
      %add3A_133 = arith.addi %rem3A_119, %add3A_132 : vector<16xi32>
      %select_n3A_134 = arith.select %and3A_131, %add3A_133, %rem3A_119 : vector<16xi1>, vector<16xi32>
      %mul3A_135 = arith.constant 1000 : i32
      %mul3A_136 = vector.broadcast %mul3A_135 : i32 to vector<16xi32>
      %mul3A_137 = arith.muli %select_n3A_134, %mul3A_136 : vector<16xi32>
      %add3A_138 = arith.addi %mul3A_137, %get3A_78 : vector<16xi32>
      tpu.vector_store_idx %arg5[%select_n3A_112, %add3A_138], %broadcast_in_dim3A_5 : memref<4x26000xf32, #tpu.memory_space<vmem>>[vector<16xi32>, vector<16xi32>], vector<16xf32>,
      %mul3A_139 = arith.constant 104 : i32
      %mul3A_140 = arith.muli %scan3A_17, %mul3A_139 : i32
      %add3A_141 = arith.constant 32 : i32
      %add3A_142 = arith.addi %mul3A_140, %add3A_141 : i32
      %get3A_143 = arith.index_cast %add3A_142 : i32 to index
      %get3A_144 = tpu.vector_load %arg4[%get3A_143] {strides = array<i32>} : memref<3328xi32, #tpu.memory_space<vmem>>, vector<16xi32>,
      %add3A_145 = arith.constant 32 : i32
      %add3A_146 = vector.broadcast %add3A_145 : i32 to vector<16xi32>
      %add3A_147 = arith.addi %add3A_146, %iota3A : vector<16xi32>
      %jit3A_148 = arith.constant 26 : i32
      %div3A_149 = vector.broadcast %jit3A_148 : i32 to vector<16xi32>
      %div3A_150 = arith.divsi %add3A_147, %div3A_149 : vector<16xi32>
      %sign3A_151 = arith.constant 0 : i32
      %sign3A_152 = vector.broadcast %sign3A_151 : i32 to vector<16xi32>
      %sign3A_153 = arith.cmpi sgt, %add3A_147, %sign3A_152 : vector<16xi32>
      %sign3A_154 = arith.extui %sign3A_153 : vector<16xi1> to vector<16xi32>
      %sign3A_155 = arith.constant 0 : i32
      %sign3A_156 = vector.broadcast %sign3A_155 : i32 to vector<16xi32>
      %sign3A_157 = arith.cmpi slt, %add3A_147, %sign3A_156 : vector<16xi32>
      %sign3A_158 = arith.extui %sign3A_157 : vector<16xi1> to vector<16xi32>
      %sign3A_159 = arith.subi %sign3A_154, %sign3A_158 : vector<16xi32>
      %sign3A_160 = arith.constant 0 : i32
      %sign3A_161 = arith.cmpi sgt, %jit3A_148, %sign3A_160 : i32
      %sign3A_162 = arith.extui %sign3A_161 : i1 to i32
      %sign3A_163 = arith.constant 0 : i32
      %sign3A_164 = arith.cmpi slt, %jit3A_148, %sign3A_163 : i32
      %sign3A_165 = arith.extui %sign3A_164 : i1 to i32
      %sign3A_166 = arith.subi %sign3A_162, %sign3A_165 : i32
      %ne3A_167 = vector.broadcast %sign3A_166 : i32 to vector<16xi32>
      %ne3A_168 = arith.cmpi ne, %sign3A_159, %ne3A_167 : vector<16xi32>
      %rem3A_169 = vector.broadcast %jit3A_148 : i32 to vector<16xi32>
      %rem3A_170 = arith.remsi %add3A_147, %rem3A_169 : vector<16xi32>
      %ne3A_171 = arith.constant 0 : i32
      %ne3A_172 = vector.broadcast %ne3A_171 : i32 to vector<16xi32>
      %ne3A_173 = arith.cmpi ne, %rem3A_170, %ne3A_172 : vector<16xi32>
      %and3A_174 = arith.andi %ne3A_168, %ne3A_173 : vector<16xi1>
      %sub3A_175 = arith.constant 1 : i32
      %sub3A_176 = vector.broadcast %sub3A_175 : i32 to vector<16xi32>
      %sub3A_177 = arith.subi %div3A_150, %sub3A_176 : vector<16xi32>
      %select_n3A_178 = arith.select %and3A_174, %sub3A_177, %div3A_150 : vector<16xi1>, vector<16xi32>
      %jit3A_179 = arith.constant 26 : i32
      %eq3A_180 = arith.constant 0 : i32
      %eq3A_181 = arith.cmpi eq, %jit3A_179, %eq3A_180 : i32
      %jit3A_182 = arith.constant 1 : i32
      %select_n3A_183 = arith.select %eq3A_181, %jit3A_182, %jit3A_179 : i32
      %rem3A_184 = vector.broadcast %select_n3A_183 : i32 to vector<16xi32>
      %rem3A_185 = arith.remsi %add3A_147, %rem3A_184 : vector<16xi32>
      %ne3A_186 = arith.constant 0 : i32
      %ne3A_187 = vector.broadcast %ne3A_186 : i32 to vector<16xi32>
      %ne3A_188 = arith.cmpi ne, %rem3A_185, %ne3A_187 : vector<16xi32>
      %lt3A_189 = arith.constant 0 : i32
      %lt3A_190 = vector.broadcast %lt3A_189 : i32 to vector<16xi32>
      %lt3A_191 = arith.cmpi slt, %rem3A_185, %lt3A_190 : vector<16xi32>
      %lt3A_192 = arith.constant 0 : i32
      %lt3A_193 = arith.cmpi slt, %select_n3A_183, %lt3A_192 : i32
      %ne3A_194 = vector.broadcast %lt3A_193 : i1 to vector<16xi1>
      %ne3A_195 = vector.broadcast %ne3A_194 : vector<16xi1> to vector<16xi1>
      %ne3A_196 = arith.xori %lt3A_191, %ne3A_195 : vector<16xi1>
      %and3A_197 = arith.andi %ne3A_196, %ne3A_188 : vector<16xi1>
      %add3A_198 = vector.broadcast %select_n3A_183 : i32 to vector<16xi32>
      %add3A_199 = arith.addi %rem3A_185, %add3A_198 : vector<16xi32>
      %select_n3A_200 = arith.select %and3A_197, %add3A_199, %rem3A_185 : vector<16xi1>, vector<16xi32>
      %mul3A_201 = arith.constant 1000 : i32
      %mul3A_202 = vector.broadcast %mul3A_201 : i32 to vector<16xi32>
      %mul3A_203 = arith.muli %select_n3A_200, %mul3A_202 : vector<16xi32>
      %add3A_204 = arith.addi %mul3A_203, %get3A_144 : vector<16xi32>
      tpu.vector_store_idx %arg5[%select_n3A_178, %add3A_204], %broadcast_in_dim3A_5 : memref<4x26000xf32, #tpu.memory_space<vmem>>[vector<16xi32>, vector<16xi32>], vector<16xf32>,
      %mul3A_205 = arith.constant 104 : i32
      %mul3A_206 = arith.muli %scan3A_17, %mul3A_205 : i32
      %add3A_207 = arith.constant 48 : i32
      %add3A_208 = arith.addi %mul3A_206, %add3A_207 : i32
      %get3A_209 = arith.index_cast %add3A_208 : i32 to index
      %get3A_210 = tpu.vector_load %arg4[%get3A_209] {strides = array<i32>} : memref<3328xi32, #tpu.memory_space<vmem>>, vector<16xi32>,
      %add3A_211 = arith.constant 48 : i32
      %add3A_212 = vector.broadcast %add3A_211 : i32 to vector<16xi32>
      %add3A_213 = arith.addi %add3A_212, %iota3A : vector<16xi32>
      %jit3A_214 = arith.constant 26 : i32
      %div3A_215 = vector.broadcast %jit3A_214 : i32 to vector<16xi32>
      %div3A_216 = arith.divsi %add3A_213, %div3A_215 : vector<16xi32>
      %sign3A_217 = arith.constant 0 : i32
      %sign3A_218 = vector.broadcast %sign3A_217 : i32 to vector<16xi32>
      %sign3A_219 = arith.cmpi sgt, %add3A_213, %sign3A_218 : vector<16xi32>
      %sign3A_220 = arith.extui %sign3A_219 : vector<16xi1> to vector<16xi32>
      %sign3A_221 = arith.constant 0 : i32
      %sign3A_222 = vector.broadcast %sign3A_221 : i32 to vector<16xi32>
      %sign3A_223 = arith.cmpi slt, %add3A_213, %sign3A_222 : vector<16xi32>
      %sign3A_224 = arith.extui %sign3A_223 : vector<16xi1> to vector<16xi32>
      %sign3A_225 = arith.subi %sign3A_220, %sign3A_224 : vector<16xi32>
      %sign3A_226 = arith.constant 0 : i32
      %sign3A_227 = arith.cmpi sgt, %jit3A_214, %sign3A_226 : i32
      %sign3A_228 = arith.extui %sign3A_227 : i1 to i32
      %sign3A_229 = arith.constant 0 : i32
      %sign3A_230 = arith.cmpi slt, %jit3A_214, %sign3A_229 : i32
      %sign3A_231 = arith.extui %sign3A_230 : i1 to i32
      %sign3A_232 = arith.subi %sign3A_228, %sign3A_231 : i32
      %ne3A_233 = vector.broadcast %sign3A_232 : i32 to vector<16xi32>
      %ne3A_234 = arith.cmpi ne, %sign3A_225, %ne3A_233 : vector<16xi32>
      %rem3A_235 = vector.broadcast %jit3A_214 : i32 to vector<16xi32>
      %rem3A_236 = arith.remsi %add3A_213, %rem3A_235 : vector<16xi32>
      %ne3A_237 = arith.constant 0 : i32
      %ne3A_238 = vector.broadcast %ne3A_237 : i32 to vector<16xi32>
      %ne3A_239 = arith.cmpi ne, %rem3A_236, %ne3A_238 : vector<16xi32>
      %and3A_240 = arith.andi %ne3A_234, %ne3A_239 : vector<16xi1>
      %sub3A_241 = arith.constant 1 : i32
      %sub3A_242 = vector.broadcast %sub3A_241 : i32 to vector<16xi32>
      %sub3A_243 = arith.subi %div3A_216, %sub3A_242 : vector<16xi32>
      %select_n3A_244 = arith.select %and3A_240, %sub3A_243, %div3A_216 : vector<16xi1>, vector<16xi32>
      %jit3A_245 = arith.constant 26 : i32
      %eq3A_246 = arith.constant 0 : i32
      %eq3A_247 = arith.cmpi eq, %jit3A_245, %eq3A_246 : i32
      %jit3A_248 = arith.constant 1 : i32
      %select_n3A_249 = arith.select %eq3A_247, %jit3A_248, %jit3A_245 : i32
      %rem3A_250 = vector.broadcast %select_n3A_249 : i32 to vector<16xi32>
      %rem3A_251 = arith.remsi %add3A_213, %rem3A_250 : vector<16xi32>
      %ne3A_252 = arith.constant 0 : i32
      %ne3A_253 = vector.broadcast %ne3A_252 : i32 to vector<16xi32>
      %ne3A_254 = arith.cmpi ne, %rem3A_251, %ne3A_253 : vector<16xi32>
      %lt3A_255 = arith.constant 0 : i32
      %lt3A_256 = vector.broadcast %lt3A_255 : i32 to vector<16xi32>
      %lt3A_257 = arith.cmpi slt, %rem3A_251, %lt3A_256 : vector<16xi32>
      %lt3A_258 = arith.constant 0 : i32
      %lt3A_259 = arith.cmpi slt, %select_n3A_249, %lt3A_258 : i32
      %ne3A_260 = vector.broadcast %lt3A_259 : i1 to vector<16xi1>
      %ne3A_261 = vector.broadcast %ne3A_260 : vector<16xi1> to vector<16xi1>
      %ne3A_262 = arith.xori %lt3A_257, %ne3A_261 : vector<16xi1>
      %and3A_263 = arith.andi %ne3A_262, %ne3A_254 : vector<16xi1>
      %add3A_264 = vector.broadcast %select_n3A_249 : i32 to vector<16xi32>
      %add3A_265 = arith.addi %rem3A_251, %add3A_264 : vector<16xi32>
      %select_n3A_266 = arith.select %and3A_263, %add3A_265, %rem3A_251 : vector<16xi1>, vector<16xi32>
      %mul3A_267 = arith.constant 1000 : i32
      %mul3A_268 = vector.broadcast %mul3A_267 : i32 to vector<16xi32>
      %mul3A_269 = arith.muli %select_n3A_266, %mul3A_268 : vector<16xi32>
      %add3A_270 = arith.addi %mul3A_269, %get3A_210 : vector<16xi32>
      tpu.vector_store_idx %arg5[%select_n3A_244, %add3A_270], %broadcast_in_dim3A_5 : memref<4x26000xf32, #tpu.memory_space<vmem>>[vector<16xi32>, vector<16xi32>], vector<16xf32>,
      %mul3A_271 = arith.constant 104 : i32
      %mul3A_272 = arith.muli %scan3A_17, %mul3A_271 : i32
      %add3A_273 = arith.constant 64 : i32
      %add3A_274 = arith.addi %mul3A_272, %add3A_273 : i32
      %get3A_275 = arith.index_cast %add3A_274 : i32 to index
      %get3A_276 = tpu.vector_load %arg4[%get3A_275] {strides = array<i32>} : memref<3328xi32, #tpu.memory_space<vmem>>, vector<16xi32>,
      %add3A_277 = arith.constant 64 : i32
      %add3A_278 = vector.broadcast %add3A_277 : i32 to vector<16xi32>
      %add3A_279 = arith.addi %add3A_278, %iota3A : vector<16xi32>
      %jit3A_280 = arith.constant 26 : i32
      %div3A_281 = vector.broadcast %jit3A_280 : i32 to vector<16xi32>
      %div3A_282 = arith.divsi %add3A_279, %div3A_281 : vector<16xi32>
      %sign3A_283 = arith.constant 0 : i32
      %sign3A_284 = vector.broadcast %sign3A_283 : i32 to vector<16xi32>
      %sign3A_285 = arith.cmpi sgt, %add3A_279, %sign3A_284 : vector<16xi32>
      %sign3A_286 = arith.extui %sign3A_285 : vector<16xi1> to vector<16xi32>
      %sign3A_287 = arith.constant 0 : i32
      %sign3A_288 = vector.broadcast %sign3A_287 : i32 to vector<16xi32>
      %sign3A_289 = arith.cmpi slt, %add3A_279, %sign3A_288 : vector<16xi32>
      %sign3A_290 = arith.extui %sign3A_289 : vector<16xi1> to vector<16xi32>
      %sign3A_291 = arith.subi %sign3A_286, %sign3A_290 : vector<16xi32>
      %sign3A_292 = arith.constant 0 : i32
      %sign3A_293 = arith.cmpi sgt, %jit3A_280, %sign3A_292 : i32
      %sign3A_294 = arith.extui %sign3A_293 : i1 to i32
      %sign3A_295 = arith.constant 0 : i32
      %sign3A_296 = arith.cmpi slt, %jit3A_280, %sign3A_295 : i32
      %sign3A_297 = arith.extui %sign3A_296 : i1 to i32
      %sign3A_298 = arith.subi %sign3A_294, %sign3A_297 : i32
      %ne3A_299 = vector.broadcast %sign3A_298 : i32 to vector<16xi32>
      %ne3A_300 = arith.cmpi ne, %sign3A_291, %ne3A_299 : vector<16xi32>
      %rem3A_301 = vector.broadcast %jit3A_280 : i32 to vector<16xi32>
      %rem3A_302 = arith.remsi %add3A_279, %rem3A_301 : vector<16xi32>
      %ne3A_303 = arith.constant 0 : i32
      %ne3A_304 = vector.broadcast %ne3A_303 : i32 to vector<16xi32>
      %ne3A_305 = arith.cmpi ne, %rem3A_302, %ne3A_304 : vector<16xi32>
      %and3A_306 = arith.andi %ne3A_300, %ne3A_305 : vector<16xi1>
      %sub3A_307 = arith.constant 1 : i32
      %sub3A_308 = vector.broadcast %sub3A_307 : i32 to vector<16xi32>
      %sub3A_309 = arith.subi %div3A_282, %sub3A_308 : vector<16xi32>
      %select_n3A_310 = arith.select %and3A_306, %sub3A_309, %div3A_282 : vector<16xi1>, vector<16xi32>
      %jit3A_311 = arith.constant 26 : i32
      %eq3A_312 = arith.constant 0 : i32
      %eq3A_313 = arith.cmpi eq, %jit3A_311, %eq3A_312 : i32
      %jit3A_314 = arith.constant 1 : i32
      %select_n3A_315 = arith.select %eq3A_313, %jit3A_314, %jit3A_311 : i32
      %rem3A_316 = vector.broadcast %select_n3A_315 : i32 to vector<16xi32>
      %rem3A_317 = arith.remsi %add3A_279, %rem3A_316 : vector<16xi32>
      %ne3A_318 = arith.constant 0 : i32
      %ne3A_319 = vector.broadcast %ne3A_318 : i32 to vector<16xi32>
      %ne3A_320 = arith.cmpi ne, %rem3A_317, %ne3A_319 : vector<16xi32>
      %lt3A_321 = arith.constant 0 : i32
      %lt3A_322 = vector.broadcast %lt3A_321 : i32 to vector<16xi32>
      %lt3A_323 = arith.cmpi slt, %rem3A_317, %lt3A_322 : vector<16xi32>
      %lt3A_324 = arith.constant 0 : i32
      %lt3A_325 = arith.cmpi slt, %select_n3A_315, %lt3A_324 : i32
      %ne3A_326 = vector.broadcast %lt3A_325 : i1 to vector<16xi1>
      %ne3A_327 = vector.broadcast %ne3A_326 : vector<16xi1> to vector<16xi1>
      %ne3A_328 = arith.xori %lt3A_323, %ne3A_327 : vector<16xi1>
      %and3A_329 = arith.andi %ne3A_328, %ne3A_320 : vector<16xi1>
      %add3A_330 = vector.broadcast %select_n3A_315 : i32 to vector<16xi32>
      %add3A_331 = arith.addi %rem3A_317, %add3A_330 : vector<16xi32>
      %select_n3A_332 = arith.select %and3A_329, %add3A_331, %rem3A_317 : vector<16xi1>, vector<16xi32>
      %mul3A_333 = arith.constant 1000 : i32
      %mul3A_334 = vector.broadcast %mul3A_333 : i32 to vector<16xi32>
      %mul3A_335 = arith.muli %select_n3A_332, %mul3A_334 : vector<16xi32>
      %add3A_336 = arith.addi %mul3A_335, %get3A_276 : vector<16xi32>
      tpu.vector_store_idx %arg5[%select_n3A_310, %add3A_336], %broadcast_in_dim3A_5 : memref<4x26000xf32, #tpu.memory_space<vmem>>[vector<16xi32>, vector<16xi32>], vector<16xf32>,
      %mul3A_337 = arith.constant 104 : i32
      %mul3A_338 = arith.muli %scan3A_17, %mul3A_337 : i32
      %add3A_339 = arith.constant 80 : i32
      %add3A_340 = arith.addi %mul3A_338, %add3A_339 : i32
      %get3A_341 = arith.index_cast %add3A_340 : i32 to index
      %get3A_342 = tpu.vector_load %arg4[%get3A_341] {strides = array<i32>} : memref<3328xi32, #tpu.memory_space<vmem>>, vector<16xi32>,
      %add3A_343 = arith.constant 80 : i32
      %add3A_344 = vector.broadcast %add3A_343 : i32 to vector<16xi32>
      %add3A_345 = arith.addi %add3A_344, %iota3A : vector<16xi32>
      %jit3A_346 = arith.constant 26 : i32
      %div3A_347 = vector.broadcast %jit3A_346 : i32 to vector<16xi32>
      %div3A_348 = arith.divsi %add3A_345, %div3A_347 : vector<16xi32>
      %sign3A_349 = arith.constant 0 : i32
      %sign3A_350 = vector.broadcast %sign3A_349 : i32 to vector<16xi32>
      %sign3A_351 = arith.cmpi sgt, %add3A_345, %sign3A_350 : vector<16xi32>
      %sign3A_352 = arith.extui %sign3A_351 : vector<16xi1> to vector<16xi32>
      %sign3A_353 = arith.constant 0 : i32
      %sign3A_354 = vector.broadcast %sign3A_353 : i32 to vector<16xi32>
      %sign3A_355 = arith.cmpi slt, %add3A_345, %sign3A_354 : vector<16xi32>
      %sign3A_356 = arith.extui %sign3A_355 : vector<16xi1> to vector<16xi32>
      %sign3A_357 = arith.subi %sign3A_352, %sign3A_356 : vector<16xi32>
      %sign3A_358 = arith.constant 0 : i32
      %sign3A_359 = arith.cmpi sgt, %jit3A_346, %sign3A_358 : i32
      %sign3A_360 = arith.extui %sign3A_359 : i1 to i32
      %sign3A_361 = arith.constant 0 : i32
      %sign3A_362 = arith.cmpi slt, %jit3A_346, %sign3A_361 : i32
      %sign3A_363 = arith.extui %sign3A_362 : i1 to i32
      %sign3A_364 = arith.subi %sign3A_360, %sign3A_363 : i32
      %ne3A_365 = vector.broadcast %sign3A_364 : i32 to vector<16xi32>
      %ne3A_366 = arith.cmpi ne, %sign3A_357, %ne3A_365 : vector<16xi32>
      %rem3A_367 = vector.broadcast %jit3A_346 : i32 to vector<16xi32>
      %rem3A_368 = arith.remsi %add3A_345, %rem3A_367 : vector<16xi32>
      %ne3A_369 = arith.constant 0 : i32
      %ne3A_370 = vector.broadcast %ne3A_369 : i32 to vector<16xi32>
      %ne3A_371 = arith.cmpi ne, %rem3A_368, %ne3A_370 : vector<16xi32>
      %and3A_372 = arith.andi %ne3A_366, %ne3A_371 : vector<16xi1>
      %sub3A_373 = arith.constant 1 : i32
      %sub3A_374 = vector.broadcast %sub3A_373 : i32 to vector<16xi32>
      %sub3A_375 = arith.subi %div3A_348, %sub3A_374 : vector<16xi32>
      %select_n3A_376 = arith.select %and3A_372, %sub3A_375, %div3A_348 : vector<16xi1>, vector<16xi32>
      %jit3A_377 = arith.constant 26 : i32
      %eq3A_378 = arith.constant 0 : i32
      %eq3A_379 = arith.cmpi eq, %jit3A_377, %eq3A_378 : i32
      %jit3A_380 = arith.constant 1 : i32
      %select_n3A_381 = arith.select %eq3A_379, %jit3A_380, %jit3A_377 : i32
      %rem3A_382 = vector.broadcast %select_n3A_381 : i32 to vector<16xi32>
      %rem3A_383 = arith.remsi %add3A_345, %rem3A_382 : vector<16xi32>
      %ne3A_384 = arith.constant 0 : i32
      %ne3A_385 = vector.broadcast %ne3A_384 : i32 to vector<16xi32>
      %ne3A_386 = arith.cmpi ne, %rem3A_383, %ne3A_385 : vector<16xi32>
      %lt3A_387 = arith.constant 0 : i32
      %lt3A_388 = vector.broadcast %lt3A_387 : i32 to vector<16xi32>
      %lt3A_389 = arith.cmpi slt, %rem3A_383, %lt3A_388 : vector<16xi32>
      %lt3A_390 = arith.constant 0 : i32
      %lt3A_391 = arith.cmpi slt, %select_n3A_381, %lt3A_390 : i32
      %ne3A_392 = vector.broadcast %lt3A_391 : i1 to vector<16xi1>
      %ne3A_393 = vector.broadcast %ne3A_392 : vector<16xi1> to vector<16xi1>
      %ne3A_394 = arith.xori %lt3A_389, %ne3A_393 : vector<16xi1>
      %and3A_395 = arith.andi %ne3A_394, %ne3A_386 : vector<16xi1>
      %add3A_396 = vector.broadcast %select_n3A_381 : i32 to vector<16xi32>
      %add3A_397 = arith.addi %rem3A_383, %add3A_396 : vector<16xi32>
      %select_n3A_398 = arith.select %and3A_395, %add3A_397, %rem3A_383 : vector<16xi1>, vector<16xi32>
      %mul3A_399 = arith.constant 1000 : i32
      %mul3A_400 = vector.broadcast %mul3A_399 : i32 to vector<16xi32>
      %mul3A_401 = arith.muli %select_n3A_398, %mul3A_400 : vector<16xi32>
      %add3A_402 = arith.addi %mul3A_401, %get3A_342 : vector<16xi32>
      tpu.vector_store_idx %arg5[%select_n3A_376, %add3A_402], %broadcast_in_dim3A_5 : memref<4x26000xf32, #tpu.memory_space<vmem>>[vector<16xi32>, vector<16xi32>], vector<16xf32>,
      %mul3A_403 = arith.constant 104 : i32
      %mul3A_404 = arith.muli %scan3A_17, %mul3A_403 : i32
      %add3A_405 = arith.constant 88 : i32
      %add3A_406 = arith.addi %mul3A_404, %add3A_405 : i32
      %get3A_407 = arith.index_cast %add3A_406 : i32 to index
      %get3A_408 = tpu.vector_load %arg4[%get3A_407] {strides = array<i32>} : memref<3328xi32, #tpu.memory_space<vmem>>, vector<16xi32>,
      %add3A_409 = arith.constant 88 : i32
      %add3A_410 = vector.broadcast %add3A_409 : i32 to vector<16xi32>
      %add3A_411 = arith.addi %add3A_410, %iota3A : vector<16xi32>
      %jit3A_412 = arith.constant 26 : i32
      %div3A_413 = vector.broadcast %jit3A_412 : i32 to vector<16xi32>
      %div3A_414 = arith.divsi %add3A_411, %div3A_413 : vector<16xi32>
      %sign3A_415 = arith.constant 0 : i32
      %sign3A_416 = vector.broadcast %sign3A_415 : i32 to vector<16xi32>
      %sign3A_417 = arith.cmpi sgt, %add3A_411, %sign3A_416 : vector<16xi32>
      %sign3A_418 = arith.extui %sign3A_417 : vector<16xi1> to vector<16xi32>
      %sign3A_419 = arith.constant 0 : i32
      %sign3A_420 = vector.broadcast %sign3A_419 : i32 to vector<16xi32>
      %sign3A_421 = arith.cmpi slt, %add3A_411, %sign3A_420 : vector<16xi32>
      %sign3A_422 = arith.extui %sign3A_421 : vector<16xi1> to vector<16xi32>
      %sign3A_423 = arith.subi %sign3A_418, %sign3A_422 : vector<16xi32>
      %sign3A_424 = arith.constant 0 : i32
      %sign3A_425 = arith.cmpi sgt, %jit3A_412, %sign3A_424 : i32
      %sign3A_426 = arith.extui %sign3A_425 : i1 to i32
      %sign3A_427 = arith.constant 0 : i32
      %sign3A_428 = arith.cmpi slt, %jit3A_412, %sign3A_427 : i32
      %sign3A_429 = arith.extui %sign3A_428 : i1 to i32
      %sign3A_430 = arith.subi %sign3A_426, %sign3A_429 : i32
      %ne3A_431 = vector.broadcast %sign3A_430 : i32 to vector<16xi32>
      %ne3A_432 = arith.cmpi ne, %sign3A_423, %ne3A_431 : vector<16xi32>
      %rem3A_433 = vector.broadcast %jit3A_412 : i32 to vector<16xi32>
      %rem3A_434 = arith.remsi %add3A_411, %rem3A_433 : vector<16xi32>
      %ne3A_435 = arith.constant 0 : i32
      %ne3A_436 = vector.broadcast %ne3A_435 : i32 to vector<16xi32>
      %ne3A_437 = arith.cmpi ne, %rem3A_434, %ne3A_436 : vector<16xi32>
      %and3A_438 = arith.andi %ne3A_432, %ne3A_437 : vector<16xi1>
      %sub3A_439 = arith.constant 1 : i32
      %sub3A_440 = vector.broadcast %sub3A_439 : i32 to vector<16xi32>
      %sub3A_441 = arith.subi %div3A_414, %sub3A_440 : vector<16xi32>
      %select_n3A_442 = arith.select %and3A_438, %sub3A_441, %div3A_414 : vector<16xi1>, vector<16xi32>
      %jit3A_443 = arith.constant 26 : i32
      %eq3A_444 = arith.constant 0 : i32
      %eq3A_445 = arith.cmpi eq, %jit3A_443, %eq3A_444 : i32
      %jit3A_446 = arith.constant 1 : i32
      %select_n3A_447 = arith.select %eq3A_445, %jit3A_446, %jit3A_443 : i32
      %rem3A_448 = vector.broadcast %select_n3A_447 : i32 to vector<16xi32>
      %rem3A_449 = arith.remsi %add3A_411, %rem3A_448 : vector<16xi32>
      %ne3A_450 = arith.constant 0 : i32
      %ne3A_451 = vector.broadcast %ne3A_450 : i32 to vector<16xi32>
      %ne3A_452 = arith.cmpi ne, %rem3A_449, %ne3A_451 : vector<16xi32>
      %lt3A_453 = arith.constant 0 : i32
      %lt3A_454 = vector.broadcast %lt3A_453 : i32 to vector<16xi32>
      %lt3A_455 = arith.cmpi slt, %rem3A_449, %lt3A_454 : vector<16xi32>
      %lt3A_456 = arith.constant 0 : i32
      %lt3A_457 = arith.cmpi slt, %select_n3A_447, %lt3A_456 : i32
      %ne3A_458 = vector.broadcast %lt3A_457 : i1 to vector<16xi1>
      %ne3A_459 = vector.broadcast %ne3A_458 : vector<16xi1> to vector<16xi1>
      %ne3A_460 = arith.xori %lt3A_455, %ne3A_459 : vector<16xi1>
      %and3A_461 = arith.andi %ne3A_460, %ne3A_452 : vector<16xi1>
      %add3A_462 = vector.broadcast %select_n3A_447 : i32 to vector<16xi32>
      %add3A_463 = arith.addi %rem3A_449, %add3A_462 : vector<16xi32>
      %select_n3A_464 = arith.select %and3A_461, %add3A_463, %rem3A_449 : vector<16xi1>, vector<16xi32>
      %mul3A_465 = arith.constant 1000 : i32
      %mul3A_466 = vector.broadcast %mul3A_465 : i32 to vector<16xi32>
      %mul3A_467 = arith.muli %select_n3A_464, %mul3A_466 : vector<16xi32>
      %add3A_468 = arith.addi %mul3A_467, %get3A_408 : vector<16xi32>
      tpu.vector_store_idx %arg5[%select_n3A_442, %add3A_468], %broadcast_in_dim3A_5 : memref<4x26000xf32, #tpu.memory_space<vmem>>[vector<16xi32>, vector<16xi32>], vector<16xf32>,
      %mul3A_469 = arith.constant 128 : i32
      %mul3A_470 = arith.muli %add3A, %mul3A_469 : i32
      %mul3A_471 = arith.constant 4 : i32
      %mul3A_472 = arith.muli %scan3A_17, %mul3A_471 : i32
      %add3A_473 = arith.addi %mul3A_470, %mul3A_472 : i32
      "tpu.region"() ({
        %run_scoped3A = tpu.sem_alloc : memref<!tpu.dma_semaphore, #tpu.memory_space<semaphore_mem>>
        %dma_start3A = arith.constant 0 : i32
        %dma_start3A_936 = tpu.memref_slice %arg3[%add3A_473, %dma_start3A] : memref<4096x26000xf32, #tpu.memory_space<hbm>> -> memref<4x26000xf32, #tpu.memory_space<hbm>>
        %dma_start3A_937 = arith.constant 0 : i32
        %dma_start3A_938 = tpu.memref_slice %arg3[%add3A_473, %dma_start3A_937] : memref<4096x26000xf32, #tpu.memory_space<hbm>> -> memref<4x26000xf32, #tpu.memory_space<hbm>>
        tpu.enqueue_dma source(%arg5 : memref<4x26000xf32, #tpu.memory_space<vmem>>) target(%dma_start3A_938 : memref<4x26000xf32, #tpu.memory_space<hbm>>) target_semaphore(%run_scoped3A : memref<!tpu.dma_semaphore, #tpu.memory_space<semaphore_mem>>)
        %dma_wait3A = arith.constant 0 : i32
        %dma_wait3A_939 = tpu.memref_slice %arg3[%add3A_473, %dma_wait3A] : memref<4096x26000xf32, #tpu.memory_space<hbm>> -> memref<4x26000xf32, #tpu.memory_space<hbm>>
        %dma_wait3A_940 = arith.constant 0 : i32
        %dma_wait3A_941 = tpu.memref_slice %arg3[%add3A_473, %dma_wait3A_940] : memref<4096x26000xf32, #tpu.memory_space<hbm>> -> memref<4x26000xf32, #tpu.memory_space<hbm>>
        tpu.wait_dma2 semaphore(%run_scoped3A : memref<!tpu.dma_semaphore, #tpu.memory_space<semaphore_mem>>) src(%arg5 : memref<4x26000xf32, #tpu.memory_space<vmem>>) dst(%dma_wait3A_941 : memref<4x26000xf32, #tpu.memory_space<hbm>>)
        tpu.yield
      }) : () -> ()
      %mul3A_474 = arith.constant 104 : i32
      %mul3A_475 = arith.muli %scan3A_17, %mul3A_474 : i32
      %add3A_476 = arith.constant 0 : i32
      %add3A_477 = arith.addi %mul3A_475, %add3A_476 : i32
      %get3A_478 = arith.index_cast %add3A_477 : i32 to index
      %get3A_479 = tpu.vector_load %arg4[%get3A_478] {strides = array<i32>} : memref<3328xi32, #tpu.memory_space<vmem>>, vector<16xi32>,
      %add3A_480 = arith.constant 0 : i32
      %add3A_481 = vector.broadcast %add3A_480 : i32 to vector<16xi32>
      %add3A_482 = arith.addi %add3A_481, %iota3A : vector<16xi32>
      %jit3A_483 = arith.constant 26 : i32
      %div3A_484 = vector.broadcast %jit3A_483 : i32 to vector<16xi32>
      %div3A_485 = arith.divsi %add3A_482, %div3A_484 : vector<16xi32>
      %sign3A_486 = arith.constant 0 : i32
      %sign3A_487 = vector.broadcast %sign3A_486 : i32 to vector<16xi32>
      %sign3A_488 = arith.cmpi sgt, %add3A_482, %sign3A_487 : vector<16xi32>
      %sign3A_489 = arith.extui %sign3A_488 : vector<16xi1> to vector<16xi32>
      %sign3A_490 = arith.constant 0 : i32
      %sign3A_491 = vector.broadcast %sign3A_490 : i32 to vector<16xi32>
      %sign3A_492 = arith.cmpi slt, %add3A_482, %sign3A_491 : vector<16xi32>
      %sign3A_493 = arith.extui %sign3A_492 : vector<16xi1> to vector<16xi32>
      %sign3A_494 = arith.subi %sign3A_489, %sign3A_493 : vector<16xi32>
      %sign3A_495 = arith.constant 0 : i32
      %sign3A_496 = arith.cmpi sgt, %jit3A_483, %sign3A_495 : i32
      %sign3A_497 = arith.extui %sign3A_496 : i1 to i32
      %sign3A_498 = arith.constant 0 : i32
      %sign3A_499 = arith.cmpi slt, %jit3A_483, %sign3A_498 : i32
      %sign3A_500 = arith.extui %sign3A_499 : i1 to i32
      %sign3A_501 = arith.subi %sign3A_497, %sign3A_500 : i32
      %ne3A_502 = vector.broadcast %sign3A_501 : i32 to vector<16xi32>
      %ne3A_503 = arith.cmpi ne, %sign3A_494, %ne3A_502 : vector<16xi32>
      %rem3A_504 = vector.broadcast %jit3A_483 : i32 to vector<16xi32>
      %rem3A_505 = arith.remsi %add3A_482, %rem3A_504 : vector<16xi32>
      %ne3A_506 = arith.constant 0 : i32
      %ne3A_507 = vector.broadcast %ne3A_506 : i32 to vector<16xi32>
      %ne3A_508 = arith.cmpi ne, %rem3A_505, %ne3A_507 : vector<16xi32>
      %and3A_509 = arith.andi %ne3A_503, %ne3A_508 : vector<16xi1>
      %sub3A_510 = arith.constant 1 : i32
      %sub3A_511 = vector.broadcast %sub3A_510 : i32 to vector<16xi32>
      %sub3A_512 = arith.subi %div3A_485, %sub3A_511 : vector<16xi32>
      %select_n3A_513 = arith.select %and3A_509, %sub3A_512, %div3A_485 : vector<16xi1>, vector<16xi32>
      %jit3A_514 = arith.constant 26 : i32
      %eq3A_515 = arith.constant 0 : i32
      %eq3A_516 = arith.cmpi eq, %jit3A_514, %eq3A_515 : i32
      %jit3A_517 = arith.constant 1 : i32
      %select_n3A_518 = arith.select %eq3A_516, %jit3A_517, %jit3A_514 : i32
      %rem3A_519 = vector.broadcast %select_n3A_518 : i32 to vector<16xi32>
      %rem3A_520 = arith.remsi %add3A_482, %rem3A_519 : vector<16xi32>
      %ne3A_521 = arith.constant 0 : i32
      %ne3A_522 = vector.broadcast %ne3A_521 : i32 to vector<16xi32>
      %ne3A_523 = arith.cmpi ne, %rem3A_520, %ne3A_522 : vector<16xi32>
      %lt3A_524 = arith.constant 0 : i32
      %lt3A_525 = vector.broadcast %lt3A_524 : i32 to vector<16xi32>
      %lt3A_526 = arith.cmpi slt, %rem3A_520, %lt3A_525 : vector<16xi32>
      %lt3A_527 = arith.constant 0 : i32
      %lt3A_528 = arith.cmpi slt, %select_n3A_518, %lt3A_527 : i32
      %ne3A_529 = vector.broadcast %lt3A_528 : i1 to vector<16xi1>
      %ne3A_530 = vector.broadcast %ne3A_529 : vector<16xi1> to vector<16xi1>
      %ne3A_531 = arith.xori %lt3A_526, %ne3A_530 : vector<16xi1>
      %and3A_532 = arith.andi %ne3A_531, %ne3A_523 : vector<16xi1>
      %add3A_533 = vector.broadcast %select_n3A_518 : i32 to vector<16xi32>
      %add3A_534 = arith.addi %rem3A_520, %add3A_533 : vector<16xi32>
      %select_n3A_535 = arith.select %and3A_532, %add3A_534, %rem3A_520 : vector<16xi1>, vector<16xi32>
      %mul3A_536 = arith.constant 1000 : i32
      %mul3A_537 = vector.broadcast %mul3A_536 : i32 to vector<16xi32>
      %mul3A_538 = arith.muli %select_n3A_535, %mul3A_537 : vector<16xi32>
      %add3A_539 = arith.addi %mul3A_538, %get3A_479 : vector<16xi32>
      tpu.vector_store_idx %arg5[%select_n3A_513, %add3A_539], %broadcast_in_dim3A_3 : memref<4x26000xf32, #tpu.memory_space<vmem>>[vector<16xi32>, vector<16xi32>], vector<16xf32>,
      %mul3A_540 = arith.constant 104 : i32
      %mul3A_541 = arith.muli %scan3A_17, %mul3A_540 : i32
      %add3A_542 = arith.constant 16 : i32
      %add3A_543 = arith.addi %mul3A_541, %add3A_542 : i32
      %get3A_544 = arith.index_cast %add3A_543 : i32 to index
      %get3A_545 = tpu.vector_load %arg4[%get3A_544] {strides = array<i32>} : memref<3328xi32, #tpu.memory_space<vmem>>, vector<16xi32>,
      %add3A_546 = arith.constant 16 : i32
      %add3A_547 = vector.broadcast %add3A_546 : i32 to vector<16xi32>
      %add3A_548 = arith.addi %add3A_547, %iota3A : vector<16xi32>
      %jit3A_549 = arith.constant 26 : i32
      %div3A_550 = vector.broadcast %jit3A_549 : i32 to vector<16xi32>
      %div3A_551 = arith.divsi %add3A_548, %div3A_550 : vector<16xi32>
      %sign3A_552 = arith.constant 0 : i32
      %sign3A_553 = vector.broadcast %sign3A_552 : i32 to vector<16xi32>
      %sign3A_554 = arith.cmpi sgt, %add3A_548, %sign3A_553 : vector<16xi32>
      %sign3A_555 = arith.extui %sign3A_554 : vector<16xi1> to vector<16xi32>
      %sign3A_556 = arith.constant 0 : i32
      %sign3A_557 = vector.broadcast %sign3A_556 : i32 to vector<16xi32>
      %sign3A_558 = arith.cmpi slt, %add3A_548, %sign3A_557 : vector<16xi32>
      %sign3A_559 = arith.extui %sign3A_558 : vector<16xi1> to vector<16xi32>
      %sign3A_560 = arith.subi %sign3A_555, %sign3A_559 : vector<16xi32>
      %sign3A_561 = arith.constant 0 : i32
      %sign3A_562 = arith.cmpi sgt, %jit3A_549, %sign3A_561 : i32
      %sign3A_563 = arith.extui %sign3A_562 : i1 to i32
      %sign3A_564 = arith.constant 0 : i32
      %sign3A_565 = arith.cmpi slt, %jit3A_549, %sign3A_564 : i32
      %sign3A_566 = arith.extui %sign3A_565 : i1 to i32
      %sign3A_567 = arith.subi %sign3A_563, %sign3A_566 : i32
      %ne3A_568 = vector.broadcast %sign3A_567 : i32 to vector<16xi32>
      %ne3A_569 = arith.cmpi ne, %sign3A_560, %ne3A_568 : vector<16xi32>
      %rem3A_570 = vector.broadcast %jit3A_549 : i32 to vector<16xi32>
      %rem3A_571 = arith.remsi %add3A_548, %rem3A_570 : vector<16xi32>
      %ne3A_572 = arith.constant 0 : i32
      %ne3A_573 = vector.broadcast %ne3A_572 : i32 to vector<16xi32>
      %ne3A_574 = arith.cmpi ne, %rem3A_571, %ne3A_573 : vector<16xi32>
      %and3A_575 = arith.andi %ne3A_569, %ne3A_574 : vector<16xi1>
      %sub3A_576 = arith.constant 1 : i32
      %sub3A_577 = vector.broadcast %sub3A_576 : i32 to vector<16xi32>
      %sub3A_578 = arith.subi %div3A_551, %sub3A_577 : vector<16xi32>
      %select_n3A_579 = arith.select %and3A_575, %sub3A_578, %div3A_551 : vector<16xi1>, vector<16xi32>
      %jit3A_580 = arith.constant 26 : i32
      %eq3A_581 = arith.constant 0 : i32
      %eq3A_582 = arith.cmpi eq, %jit3A_580, %eq3A_581 : i32
      %jit3A_583 = arith.constant 1 : i32
      %select_n3A_584 = arith.select %eq3A_582, %jit3A_583, %jit3A_580 : i32
      %rem3A_585 = vector.broadcast %select_n3A_584 : i32 to vector<16xi32>
      %rem3A_586 = arith.remsi %add3A_548, %rem3A_585 : vector<16xi32>
      %ne3A_587 = arith.constant 0 : i32
      %ne3A_588 = vector.broadcast %ne3A_587 : i32 to vector<16xi32>
      %ne3A_589 = arith.cmpi ne, %rem3A_586, %ne3A_588 : vector<16xi32>
      %lt3A_590 = arith.constant 0 : i32
      %lt3A_591 = vector.broadcast %lt3A_590 : i32 to vector<16xi32>
      %lt3A_592 = arith.cmpi slt, %rem3A_586, %lt3A_591 : vector<16xi32>
      %lt3A_593 = arith.constant 0 : i32
      %lt3A_594 = arith.cmpi slt, %select_n3A_584, %lt3A_593 : i32
      %ne3A_595 = vector.broadcast %lt3A_594 : i1 to vector<16xi1>
      %ne3A_596 = vector.broadcast %ne3A_595 : vector<16xi1> to vector<16xi1>
      %ne3A_597 = arith.xori %lt3A_592, %ne3A_596 : vector<16xi1>
      %and3A_598 = arith.andi %ne3A_597, %ne3A_589 : vector<16xi1>
      %add3A_599 = vector.broadcast %select_n3A_584 : i32 to vector<16xi32>
      %add3A_600 = arith.addi %rem3A_586, %add3A_599 : vector<16xi32>
      %select_n3A_601 = arith.select %and3A_598, %add3A_600, %rem3A_586 : vector<16xi1>, vector<16xi32>
      %mul3A_602 = arith.constant 1000 : i32
      %mul3A_603 = vector.broadcast %mul3A_602 : i32 to vector<16xi32>
      %mul3A_604 = arith.muli %select_n3A_601, %mul3A_603 : vector<16xi32>
      %add3A_605 = arith.addi %mul3A_604, %get3A_545 : vector<16xi32>
      tpu.vector_store_idx %arg5[%select_n3A_579, %add3A_605], %broadcast_in_dim3A_3 : memref<4x26000xf32, #tpu.memory_space<vmem>>[vector<16xi32>, vector<16xi32>], vector<16xf32>,
      %mul3A_606 = arith.constant 104 : i32
      %mul3A_607 = arith.muli %scan3A_17, %mul3A_606 : i32
      %add3A_608 = arith.constant 32 : i32
      %add3A_609 = arith.addi %mul3A_607, %add3A_608 : i32
      %get3A_610 = arith.index_cast %add3A_609 : i32 to index
      %get3A_611 = tpu.vector_load %arg4[%get3A_610] {strides = array<i32>} : memref<3328xi32, #tpu.memory_space<vmem>>, vector<16xi32>,
      %add3A_612 = arith.constant 32 : i32
      %add3A_613 = vector.broadcast %add3A_612 : i32 to vector<16xi32>
      %add3A_614 = arith.addi %add3A_613, %iota3A : vector<16xi32>
      %jit3A_615 = arith.constant 26 : i32
      %div3A_616 = vector.broadcast %jit3A_615 : i32 to vector<16xi32>
      %div3A_617 = arith.divsi %add3A_614, %div3A_616 : vector<16xi32>
      %sign3A_618 = arith.constant 0 : i32
      %sign3A_619 = vector.broadcast %sign3A_618 : i32 to vector<16xi32>
      %sign3A_620 = arith.cmpi sgt, %add3A_614, %sign3A_619 : vector<16xi32>
      %sign3A_621 = arith.extui %sign3A_620 : vector<16xi1> to vector<16xi32>
      %sign3A_622 = arith.constant 0 : i32
      %sign3A_623 = vector.broadcast %sign3A_622 : i32 to vector<16xi32>
      %sign3A_624 = arith.cmpi slt, %add3A_614, %sign3A_623 : vector<16xi32>
      %sign3A_625 = arith.extui %sign3A_624 : vector<16xi1> to vector<16xi32>
      %sign3A_626 = arith.subi %sign3A_621, %sign3A_625 : vector<16xi32>
      %sign3A_627 = arith.constant 0 : i32
      %sign3A_628 = arith.cmpi sgt, %jit3A_615, %sign3A_627 : i32
      %sign3A_629 = arith.extui %sign3A_628 : i1 to i32
      %sign3A_630 = arith.constant 0 : i32
      %sign3A_631 = arith.cmpi slt, %jit3A_615, %sign3A_630 : i32
      %sign3A_632 = arith.extui %sign3A_631 : i1 to i32
      %sign3A_633 = arith.subi %sign3A_629, %sign3A_632 : i32
      %ne3A_634 = vector.broadcast %sign3A_633 : i32 to vector<16xi32>
      %ne3A_635 = arith.cmpi ne, %sign3A_626, %ne3A_634 : vector<16xi32>
      %rem3A_636 = vector.broadcast %jit3A_615 : i32 to vector<16xi32>
      %rem3A_637 = arith.remsi %add3A_614, %rem3A_636 : vector<16xi32>
      %ne3A_638 = arith.constant 0 : i32
      %ne3A_639 = vector.broadcast %ne3A_638 : i32 to vector<16xi32>
      %ne3A_640 = arith.cmpi ne, %rem3A_637, %ne3A_639 : vector<16xi32>
      %and3A_641 = arith.andi %ne3A_635, %ne3A_640 : vector<16xi1>
      %sub3A_642 = arith.constant 1 : i32
      %sub3A_643 = vector.broadcast %sub3A_642 : i32 to vector<16xi32>
      %sub3A_644 = arith.subi %div3A_617, %sub3A_643 : vector<16xi32>
      %select_n3A_645 = arith.select %and3A_641, %sub3A_644, %div3A_617 : vector<16xi1>, vector<16xi32>
      %jit3A_646 = arith.constant 26 : i32
      %eq3A_647 = arith.constant 0 : i32
      %eq3A_648 = arith.cmpi eq, %jit3A_646, %eq3A_647 : i32
      %jit3A_649 = arith.constant 1 : i32
      %select_n3A_650 = arith.select %eq3A_648, %jit3A_649, %jit3A_646 : i32
      %rem3A_651 = vector.broadcast %select_n3A_650 : i32 to vector<16xi32>
      %rem3A_652 = arith.remsi %add3A_614, %rem3A_651 : vector<16xi32>
      %ne3A_653 = arith.constant 0 : i32
      %ne3A_654 = vector.broadcast %ne3A_653 : i32 to vector<16xi32>
      %ne3A_655 = arith.cmpi ne, %rem3A_652, %ne3A_654 : vector<16xi32>
      %lt3A_656 = arith.constant 0 : i32
      %lt3A_657 = vector.broadcast %lt3A_656 : i32 to vector<16xi32>
      %lt3A_658 = arith.cmpi slt, %rem3A_652, %lt3A_657 : vector<16xi32>
      %lt3A_659 = arith.constant 0 : i32
      %lt3A_660 = arith.cmpi slt, %select_n3A_650, %lt3A_659 : i32
      %ne3A_661 = vector.broadcast %lt3A_660 : i1 to vector<16xi1>
      %ne3A_662 = vector.broadcast %ne3A_661 : vector<16xi1> to vector<16xi1>
      %ne3A_663 = arith.xori %lt3A_658, %ne3A_662 : vector<16xi1>
      %and3A_664 = arith.andi %ne3A_663, %ne3A_655 : vector<16xi1>
      %add3A_665 = vector.broadcast %select_n3A_650 : i32 to vector<16xi32>
      %add3A_666 = arith.addi %rem3A_652, %add3A_665 : vector<16xi32>
      %select_n3A_667 = arith.select %and3A_664, %add3A_666, %rem3A_652 : vector<16xi1>, vector<16xi32>
      %mul3A_668 = arith.constant 1000 : i32
      %mul3A_669 = vector.broadcast %mul3A_668 : i32 to vector<16xi32>
      %mul3A_670 = arith.muli %select_n3A_667, %mul3A_669 : vector<16xi32>
      %add3A_671 = arith.addi %mul3A_670, %get3A_611 : vector<16xi32>
      tpu.vector_store_idx %arg5[%select_n3A_645, %add3A_671], %broadcast_in_dim3A_3 : memref<4x26000xf32, #tpu.memory_space<vmem>>[vector<16xi32>, vector<16xi32>], vector<16xf32>,
      %mul3A_672 = arith.constant 104 : i32
      %mul3A_673 = arith.muli %scan3A_17, %mul3A_672 : i32
      %add3A_674 = arith.constant 48 : i32
      %add3A_675 = arith.addi %mul3A_673, %add3A_674 : i32
      %get3A_676 = arith.index_cast %add3A_675 : i32 to index
      %get3A_677 = tpu.vector_load %arg4[%get3A_676] {strides = array<i32>} : memref<3328xi32, #tpu.memory_space<vmem>>, vector<16xi32>,
      %add3A_678 = arith.constant 48 : i32
      %add3A_679 = vector.broadcast %add3A_678 : i32 to vector<16xi32>
      %add3A_680 = arith.addi %add3A_679, %iota3A : vector<16xi32>
      %jit3A_681 = arith.constant 26 : i32
      %div3A_682 = vector.broadcast %jit3A_681 : i32 to vector<16xi32>
      %div3A_683 = arith.divsi %add3A_680, %div3A_682 : vector<16xi32>
      %sign3A_684 = arith.constant 0 : i32
      %sign3A_685 = vector.broadcast %sign3A_684 : i32 to vector<16xi32>
      %sign3A_686 = arith.cmpi sgt, %add3A_680, %sign3A_685 : vector<16xi32>
      %sign3A_687 = arith.extui %sign3A_686 : vector<16xi1> to vector<16xi32>
      %sign3A_688 = arith.constant 0 : i32
      %sign3A_689 = vector.broadcast %sign3A_688 : i32 to vector<16xi32>
      %sign3A_690 = arith.cmpi slt, %add3A_680, %sign3A_689 : vector<16xi32>
      %sign3A_691 = arith.extui %sign3A_690 : vector<16xi1> to vector<16xi32>
      %sign3A_692 = arith.subi %sign3A_687, %sign3A_691 : vector<16xi32>
      %sign3A_693 = arith.constant 0 : i32
      %sign3A_694 = arith.cmpi sgt, %jit3A_681, %sign3A_693 : i32
      %sign3A_695 = arith.extui %sign3A_694 : i1 to i32
      %sign3A_696 = arith.constant 0 : i32
      %sign3A_697 = arith.cmpi slt, %jit3A_681, %sign3A_696 : i32
      %sign3A_698 = arith.extui %sign3A_697 : i1 to i32
      %sign3A_699 = arith.subi %sign3A_695, %sign3A_698 : i32
      %ne3A_700 = vector.broadcast %sign3A_699 : i32 to vector<16xi32>
      %ne3A_701 = arith.cmpi ne, %sign3A_692, %ne3A_700 : vector<16xi32>
      %rem3A_702 = vector.broadcast %jit3A_681 : i32 to vector<16xi32>
      %rem3A_703 = arith.remsi %add3A_680, %rem3A_702 : vector<16xi32>
      %ne3A_704 = arith.constant 0 : i32
      %ne3A_705 = vector.broadcast %ne3A_704 : i32 to vector<16xi32>
      %ne3A_706 = arith.cmpi ne, %rem3A_703, %ne3A_705 : vector<16xi32>
      %and3A_707 = arith.andi %ne3A_701, %ne3A_706 : vector<16xi1>
      %sub3A_708 = arith.constant 1 : i32
      %sub3A_709 = vector.broadcast %sub3A_708 : i32 to vector<16xi32>
      %sub3A_710 = arith.subi %div3A_683, %sub3A_709 : vector<16xi32>
      %select_n3A_711 = arith.select %and3A_707, %sub3A_710, %div3A_683 : vector<16xi1>, vector<16xi32>
      %jit3A_712 = arith.constant 26 : i32
      %eq3A_713 = arith.constant 0 : i32
      %eq3A_714 = arith.cmpi eq, %jit3A_712, %eq3A_713 : i32
      %jit3A_715 = arith.constant 1 : i32
      %select_n3A_716 = arith.select %eq3A_714, %jit3A_715, %jit3A_712 : i32
      %rem3A_717 = vector.broadcast %select_n3A_716 : i32 to vector<16xi32>
      %rem3A_718 = arith.remsi %add3A_680, %rem3A_717 : vector<16xi32>
      %ne3A_719 = arith.constant 0 : i32
      %ne3A_720 = vector.broadcast %ne3A_719 : i32 to vector<16xi32>
      %ne3A_721 = arith.cmpi ne, %rem3A_718, %ne3A_720 : vector<16xi32>
      %lt3A_722 = arith.constant 0 : i32
      %lt3A_723 = vector.broadcast %lt3A_722 : i32 to vector<16xi32>
      %lt3A_724 = arith.cmpi slt, %rem3A_718, %lt3A_723 : vector<16xi32>
      %lt3A_725 = arith.constant 0 : i32
      %lt3A_726 = arith.cmpi slt, %select_n3A_716, %lt3A_725 : i32
      %ne3A_727 = vector.broadcast %lt3A_726 : i1 to vector<16xi1>
      %ne3A_728 = vector.broadcast %ne3A_727 : vector<16xi1> to vector<16xi1>
      %ne3A_729 = arith.xori %lt3A_724, %ne3A_728 : vector<16xi1>
      %and3A_730 = arith.andi %ne3A_729, %ne3A_721 : vector<16xi1>
      %add3A_731 = vector.broadcast %select_n3A_716 : i32 to vector<16xi32>
      %add3A_732 = arith.addi %rem3A_718, %add3A_731 : vector<16xi32>
      %select_n3A_733 = arith.select %and3A_730, %add3A_732, %rem3A_718 : vector<16xi1>, vector<16xi32>
      %mul3A_734 = arith.constant 1000 : i32
      %mul3A_735 = vector.broadcast %mul3A_734 : i32 to vector<16xi32>
      %mul3A_736 = arith.muli %select_n3A_733, %mul3A_735 : vector<16xi32>
      %add3A_737 = arith.addi %mul3A_736, %get3A_677 : vector<16xi32>
      tpu.vector_store_idx %arg5[%select_n3A_711, %add3A_737], %broadcast_in_dim3A_3 : memref<4x26000xf32, #tpu.memory_space<vmem>>[vector<16xi32>, vector<16xi32>], vector<16xf32>,
      %mul3A_738 = arith.constant 104 : i32
      %mul3A_739 = arith.muli %scan3A_17, %mul3A_738 : i32
      %add3A_740 = arith.constant 64 : i32
      %add3A_741 = arith.addi %mul3A_739, %add3A_740 : i32
      %get3A_742 = arith.index_cast %add3A_741 : i32 to index
      %get3A_743 = tpu.vector_load %arg4[%get3A_742] {strides = array<i32>} : memref<3328xi32, #tpu.memory_space<vmem>>, vector<16xi32>,
      %add3A_744 = arith.constant 64 : i32
      %add3A_745 = vector.broadcast %add3A_744 : i32 to vector<16xi32>
      %add3A_746 = arith.addi %add3A_745, %iota3A : vector<16xi32>
      %jit3A_747 = arith.constant 26 : i32
      %div3A_748 = vector.broadcast %jit3A_747 : i32 to vector<16xi32>
      %div3A_749 = arith.divsi %add3A_746, %div3A_748 : vector<16xi32>
      %sign3A_750 = arith.constant 0 : i32
      %sign3A_751 = vector.broadcast %sign3A_750 : i32 to vector<16xi32>
      %sign3A_752 = arith.cmpi sgt, %add3A_746, %sign3A_751 : vector<16xi32>
      %sign3A_753 = arith.extui %sign3A_752 : vector<16xi1> to vector<16xi32>
      %sign3A_754 = arith.constant 0 : i32
      %sign3A_755 = vector.broadcast %sign3A_754 : i32 to vector<16xi32>
      %sign3A_756 = arith.cmpi slt, %add3A_746, %sign3A_755 : vector<16xi32>
      %sign3A_757 = arith.extui %sign3A_756 : vector<16xi1> to vector<16xi32>
      %sign3A_758 = arith.subi %sign3A_753, %sign3A_757 : vector<16xi32>
      %sign3A_759 = arith.constant 0 : i32
      %sign3A_760 = arith.cmpi sgt, %jit3A_747, %sign3A_759 : i32
      %sign3A_761 = arith.extui %sign3A_760 : i1 to i32
      %sign3A_762 = arith.constant 0 : i32
      %sign3A_763 = arith.cmpi slt, %jit3A_747, %sign3A_762 : i32
      %sign3A_764 = arith.extui %sign3A_763 : i1 to i32
      %sign3A_765 = arith.subi %sign3A_761, %sign3A_764 : i32
      %ne3A_766 = vector.broadcast %sign3A_765 : i32 to vector<16xi32>
      %ne3A_767 = arith.cmpi ne, %sign3A_758, %ne3A_766 : vector<16xi32>
      %rem3A_768 = vector.broadcast %jit3A_747 : i32 to vector<16xi32>
      %rem3A_769 = arith.remsi %add3A_746, %rem3A_768 : vector<16xi32>
      %ne3A_770 = arith.constant 0 : i32
      %ne3A_771 = vector.broadcast %ne3A_770 : i32 to vector<16xi32>
      %ne3A_772 = arith.cmpi ne, %rem3A_769, %ne3A_771 : vector<16xi32>
      %and3A_773 = arith.andi %ne3A_767, %ne3A_772 : vector<16xi1>
      %sub3A_774 = arith.constant 1 : i32
      %sub3A_775 = vector.broadcast %sub3A_774 : i32 to vector<16xi32>
      %sub3A_776 = arith.subi %div3A_749, %sub3A_775 : vector<16xi32>
      %select_n3A_777 = arith.select %and3A_773, %sub3A_776, %div3A_749 : vector<16xi1>, vector<16xi32>
      %jit3A_778 = arith.constant 26 : i32
      %eq3A_779 = arith.constant 0 : i32
      %eq3A_780 = arith.cmpi eq, %jit3A_778, %eq3A_779 : i32
      %jit3A_781 = arith.constant 1 : i32
      %select_n3A_782 = arith.select %eq3A_780, %jit3A_781, %jit3A_778 : i32
      %rem3A_783 = vector.broadcast %select_n3A_782 : i32 to vector<16xi32>
      %rem3A_784 = arith.remsi %add3A_746, %rem3A_783 : vector<16xi32>
      %ne3A_785 = arith.constant 0 : i32
      %ne3A_786 = vector.broadcast %ne3A_785 : i32 to vector<16xi32>
      %ne3A_787 = arith.cmpi ne, %rem3A_784, %ne3A_786 : vector<16xi32>
      %lt3A_788 = arith.constant 0 : i32
      %lt3A_789 = vector.broadcast %lt3A_788 : i32 to vector<16xi32>
      %lt3A_790 = arith.cmpi slt, %rem3A_784, %lt3A_789 : vector<16xi32>
      %lt3A_791 = arith.constant 0 : i32
      %lt3A_792 = arith.cmpi slt, %select_n3A_782, %lt3A_791 : i32
      %ne3A_793 = vector.broadcast %lt3A_792 : i1 to vector<16xi1>
      %ne3A_794 = vector.broadcast %ne3A_793 : vector<16xi1> to vector<16xi1>
      %ne3A_795 = arith.xori %lt3A_790, %ne3A_794 : vector<16xi1>
      %and3A_796 = arith.andi %ne3A_795, %ne3A_787 : vector<16xi1>
      %add3A_797 = vector.broadcast %select_n3A_782 : i32 to vector<16xi32>
      %add3A_798 = arith.addi %rem3A_784, %add3A_797 : vector<16xi32>
      %select_n3A_799 = arith.select %and3A_796, %add3A_798, %rem3A_784 : vector<16xi1>, vector<16xi32>
      %mul3A_800 = arith.constant 1000 : i32
      %mul3A_801 = vector.broadcast %mul3A_800 : i32 to vector<16xi32>
      %mul3A_802 = arith.muli %select_n3A_799, %mul3A_801 : vector<16xi32>
      %add3A_803 = arith.addi %mul3A_802, %get3A_743 : vector<16xi32>
      tpu.vector_store_idx %arg5[%select_n3A_777, %add3A_803], %broadcast_in_dim3A_3 : memref<4x26000xf32, #tpu.memory_space<vmem>>[vector<16xi32>, vector<16xi32>], vector<16xf32>,
      %mul3A_804 = arith.constant 104 : i32
      %mul3A_805 = arith.muli %scan3A_17, %mul3A_804 : i32
      %add3A_806 = arith.constant 80 : i32
      %add3A_807 = arith.addi %mul3A_805, %add3A_806 : i32
      %get3A_808 = arith.index_cast %add3A_807 : i32 to index
      %get3A_809 = tpu.vector_load %arg4[%get3A_808] {strides = array<i32>} : memref<3328xi32, #tpu.memory_space<vmem>>, vector<16xi32>,
      %add3A_810 = arith.constant 80 : i32
      %add3A_811 = vector.broadcast %add3A_810 : i32 to vector<16xi32>
      %add3A_812 = arith.addi %add3A_811, %iota3A : vector<16xi32>
      %jit3A_813 = arith.constant 26 : i32
      %div3A_814 = vector.broadcast %jit3A_813 : i32 to vector<16xi32>
      %div3A_815 = arith.divsi %add3A_812, %div3A_814 : vector<16xi32>
      %sign3A_816 = arith.constant 0 : i32
      %sign3A_817 = vector.broadcast %sign3A_816 : i32 to vector<16xi32>
      %sign3A_818 = arith.cmpi sgt, %add3A_812, %sign3A_817 : vector<16xi32>
      %sign3A_819 = arith.extui %sign3A_818 : vector<16xi1> to vector<16xi32>
      %sign3A_820 = arith.constant 0 : i32
      %sign3A_821 = vector.broadcast %sign3A_820 : i32 to vector<16xi32>
      %sign3A_822 = arith.cmpi slt, %add3A_812, %sign3A_821 : vector<16xi32>
      %sign3A_823 = arith.extui %sign3A_822 : vector<16xi1> to vector<16xi32>
      %sign3A_824 = arith.subi %sign3A_819, %sign3A_823 : vector<16xi32>
      %sign3A_825 = arith.constant 0 : i32
      %sign3A_826 = arith.cmpi sgt, %jit3A_813, %sign3A_825 : i32
      %sign3A_827 = arith.extui %sign3A_826 : i1 to i32
      %sign3A_828 = arith.constant 0 : i32
      %sign3A_829 = arith.cmpi slt, %jit3A_813, %sign3A_828 : i32
      %sign3A_830 = arith.extui %sign3A_829 : i1 to i32
      %sign3A_831 = arith.subi %sign3A_827, %sign3A_830 : i32
      %ne3A_832 = vector.broadcast %sign3A_831 : i32 to vector<16xi32>
      %ne3A_833 = arith.cmpi ne, %sign3A_824, %ne3A_832 : vector<16xi32>
      %rem3A_834 = vector.broadcast %jit3A_813 : i32 to vector<16xi32>
      %rem3A_835 = arith.remsi %add3A_812, %rem3A_834 : vector<16xi32>
      %ne3A_836 = arith.constant 0 : i32
      %ne3A_837 = vector.broadcast %ne3A_836 : i32 to vector<16xi32>
      %ne3A_838 = arith.cmpi ne, %rem3A_835, %ne3A_837 : vector<16xi32>
      %and3A_839 = arith.andi %ne3A_833, %ne3A_838 : vector<16xi1>
      %sub3A_840 = arith.constant 1 : i32
      %sub3A_841 = vector.broadcast %sub3A_840 : i32 to vector<16xi32>
      %sub3A_842 = arith.subi %div3A_815, %sub3A_841 : vector<16xi32>
      %select_n3A_843 = arith.select %and3A_839, %sub3A_842, %div3A_815 : vector<16xi1>, vector<16xi32>
      %jit3A_844 = arith.constant 26 : i32
      %eq3A_845 = arith.constant 0 : i32
      %eq3A_846 = arith.cmpi eq, %jit3A_844, %eq3A_845 : i32
      %jit3A_847 = arith.constant 1 : i32
      %select_n3A_848 = arith.select %eq3A_846, %jit3A_847, %jit3A_844 : i32
      %rem3A_849 = vector.broadcast %select_n3A_848 : i32 to vector<16xi32>
      %rem3A_850 = arith.remsi %add3A_812, %rem3A_849 : vector<16xi32>
      %ne3A_851 = arith.constant 0 : i32
      %ne3A_852 = vector.broadcast %ne3A_851 : i32 to vector<16xi32>
      %ne3A_853 = arith.cmpi ne, %rem3A_850, %ne3A_852 : vector<16xi32>
      %lt3A_854 = arith.constant 0 : i32
      %lt3A_855 = vector.broadcast %lt3A_854 : i32 to vector<16xi32>
      %lt3A_856 = arith.cmpi slt, %rem3A_850, %lt3A_855 : vector<16xi32>
      %lt3A_857 = arith.constant 0 : i32
      %lt3A_858 = arith.cmpi slt, %select_n3A_848, %lt3A_857 : i32
      %ne3A_859 = vector.broadcast %lt3A_858 : i1 to vector<16xi1>
      %ne3A_860 = vector.broadcast %ne3A_859 : vector<16xi1> to vector<16xi1>
      %ne3A_861 = arith.xori %lt3A_856, %ne3A_860 : vector<16xi1>
      %and3A_862 = arith.andi %ne3A_861, %ne3A_853 : vector<16xi1>
      %add3A_863 = vector.broadcast %select_n3A_848 : i32 to vector<16xi32>
      %add3A_864 = arith.addi %rem3A_850, %add3A_863 : vector<16xi32>
      %select_n3A_865 = arith.select %and3A_862, %add3A_864, %rem3A_850 : vector<16xi1>, vector<16xi32>
      %mul3A_866 = arith.constant 1000 : i32
      %mul3A_867 = vector.broadcast %mul3A_866 : i32 to vector<16xi32>
      %mul3A_868 = arith.muli %select_n3A_865, %mul3A_867 : vector<16xi32>
      %add3A_869 = arith.addi %mul3A_868, %get3A_809 : vector<16xi32>
      tpu.vector_store_idx %arg5[%select_n3A_843, %add3A_869], %broadcast_in_dim3A_3 : memref<4x26000xf32, #tpu.memory_space<vmem>>[vector<16xi32>, vector<16xi32>], vector<16xf32>,
      %mul3A_870 = arith.constant 104 : i32
      %mul3A_871 = arith.muli %scan3A_17, %mul3A_870 : i32
      %add3A_872 = arith.constant 88 : i32
      %add3A_873 = arith.addi %mul3A_871, %add3A_872 : i32
      %get3A_874 = arith.index_cast %add3A_873 : i32 to index
      %get3A_875 = tpu.vector_load %arg4[%get3A_874] {strides = array<i32>} : memref<3328xi32, #tpu.memory_space<vmem>>, vector<16xi32>,
      %add3A_876 = arith.constant 88 : i32
      %add3A_877 = vector.broadcast %add3A_876 : i32 to vector<16xi32>
      %add3A_878 = arith.addi %add3A_877, %iota3A : vector<16xi32>
      %jit3A_879 = arith.constant 26 : i32
      %div3A_880 = vector.broadcast %jit3A_879 : i32 to vector<16xi32>
      %div3A_881 = arith.divsi %add3A_878, %div3A_880 : vector<16xi32>
      %sign3A_882 = arith.constant 0 : i32
      %sign3A_883 = vector.broadcast %sign3A_882 : i32 to vector<16xi32>
      %sign3A_884 = arith.cmpi sgt, %add3A_878, %sign3A_883 : vector<16xi32>
      %sign3A_885 = arith.extui %sign3A_884 : vector<16xi1> to vector<16xi32>
      %sign3A_886 = arith.constant 0 : i32
      %sign3A_887 = vector.broadcast %sign3A_886 : i32 to vector<16xi32>
      %sign3A_888 = arith.cmpi slt, %add3A_878, %sign3A_887 : vector<16xi32>
      %sign3A_889 = arith.extui %sign3A_888 : vector<16xi1> to vector<16xi32>
      %sign3A_890 = arith.subi %sign3A_885, %sign3A_889 : vector<16xi32>
      %sign3A_891 = arith.constant 0 : i32
      %sign3A_892 = arith.cmpi sgt, %jit3A_879, %sign3A_891 : i32
      %sign3A_893 = arith.extui %sign3A_892 : i1 to i32
      %sign3A_894 = arith.constant 0 : i32
      %sign3A_895 = arith.cmpi slt, %jit3A_879, %sign3A_894 : i32
      %sign3A_896 = arith.extui %sign3A_895 : i1 to i32
      %sign3A_897 = arith.subi %sign3A_893, %sign3A_896 : i32
      %ne3A_898 = vector.broadcast %sign3A_897 : i32 to vector<16xi32>
      %ne3A_899 = arith.cmpi ne, %sign3A_890, %ne3A_898 : vector<16xi32>
      %rem3A_900 = vector.broadcast %jit3A_879 : i32 to vector<16xi32>
      %rem3A_901 = arith.remsi %add3A_878, %rem3A_900 : vector<16xi32>
      %ne3A_902 = arith.constant 0 : i32
      %ne3A_903 = vector.broadcast %ne3A_902 : i32 to vector<16xi32>
      %ne3A_904 = arith.cmpi ne, %rem3A_901, %ne3A_903 : vector<16xi32>
      %and3A_905 = arith.andi %ne3A_899, %ne3A_904 : vector<16xi1>
      %sub3A_906 = arith.constant 1 : i32
      %sub3A_907 = vector.broadcast %sub3A_906 : i32 to vector<16xi32>
      %sub3A_908 = arith.subi %div3A_881, %sub3A_907 : vector<16xi32>
      %select_n3A_909 = arith.select %and3A_905, %sub3A_908, %div3A_881 : vector<16xi1>, vector<16xi32>
      %jit3A_910 = arith.constant 26 : i32
      %eq3A_911 = arith.constant 0 : i32
      %eq3A_912 = arith.cmpi eq, %jit3A_910, %eq3A_911 : i32
      %jit3A_913 = arith.constant 1 : i32
      %select_n3A_914 = arith.select %eq3A_912, %jit3A_913, %jit3A_910 : i32
      %rem3A_915 = vector.broadcast %select_n3A_914 : i32 to vector<16xi32>
      %rem3A_916 = arith.remsi %add3A_878, %rem3A_915 : vector<16xi32>
      %ne3A_917 = arith.constant 0 : i32
      %ne3A_918 = vector.broadcast %ne3A_917 : i32 to vector<16xi32>
      %ne3A_919 = arith.cmpi ne, %rem3A_916, %ne3A_918 : vector<16xi32>
      %lt3A_920 = arith.constant 0 : i32
      %lt3A_921 = vector.broadcast %lt3A_920 : i32 to vector<16xi32>
      %lt3A_922 = arith.cmpi slt, %rem3A_916, %lt3A_921 : vector<16xi32>
      %lt3A_923 = arith.constant 0 : i32
      %lt3A_924 = arith.cmpi slt, %select_n3A_914, %lt3A_923 : i32
      %ne3A_925 = vector.broadcast %lt3A_924 : i1 to vector<16xi1>
      %ne3A_926 = vector.broadcast %ne3A_925 : vector<16xi1> to vector<16xi1>
      %ne3A_927 = arith.xori %lt3A_922, %ne3A_926 : vector<16xi1>
      %and3A_928 = arith.andi %ne3A_927, %ne3A_919 : vector<16xi1>
      %add3A_929 = vector.broadcast %select_n3A_914 : i32 to vector<16xi32>
      %add3A_930 = arith.addi %rem3A_916, %add3A_929 : vector<16xi32>
      %select_n3A_931 = arith.select %and3A_928, %add3A_930, %rem3A_916 : vector<16xi1>, vector<16xi32>
      %mul3A_932 = arith.constant 1000 : i32
      %mul3A_933 = vector.broadcast %mul3A_932 : i32 to vector<16xi32>
      %mul3A_934 = arith.muli %select_n3A_931, %mul3A_933 : vector<16xi32>
      %add3A_935 = arith.addi %mul3A_934, %get3A_875 : vector<16xi32>
      tpu.vector_store_idx %arg5[%select_n3A_909, %add3A_935], %broadcast_in_dim3A_3 : memref<4x26000xf32, #tpu.memory_space<vmem>>[vector<16xi32>, vector<16xi32>], vector<16xf32>,
    }
    %scan3A_16 = arith.constant 32 : i32
    return
  }
}

</mosaic_0001>

<sc_bundles>
// kernel: kernel.3.cloned.1.call-start
scs
__scs_entry_jumppad:
0x0: {  	(pc) =	sbr.rel $0x88, $3  }
0x1: {  	(tag) =	ssettag $0x0;
	lr =	simm.s32 $0x1  }
0x2: {  	[smem:$0x3FA0] =	sst lr;
	_ =	strace $0xD0000000  }
0x3: {  	_ = 	snop  }
0x4: {  	_ = 	snop  }
0x5: {  	_ = 	snop  }
0x6: {  	_ = 	snop  }
0x7: {  	_ = 	snop  }
__scs_overlays_trampoline_lowered:
0x8: {  	[smem:$0x3FAF] =	sst s0  }
0x9: {  	[smem:$0x3FB0] =	sst s1  }
0xa: {  	[smem:$0x3FB1] =	sst s2  }
0xb: {  	[smem:$0x3FB2] =	sst s3  }
0xc: {  	[smem:$0x3FB3] =	sst s4  }
0xd: {  	[smem:$0x3FB4] =	sst s5  }
0xe: {  	[smem:$0x3FB5] =	sst s6  }
0xf: {  	[smem:$0x3FB6] =	sst s7  }
0x10: {  	[smem:$0x3FB7] =	sst s8  }
0x11: {  	[smem:$0x3FB8] =	sst s9;
	s0 =	simm.s32 @!p0 $0x0  }
0x12: {  	s1 =	sld [smem:$0x3F9E];
	s0 =	simm.s32 @p0 $0x1  }
0x13: {  	[smem:$0x3FB9] =	sst s0;
	s0 =	simm.s32 @!p1 $0x0  }
0x14: {  	s2 =	sld [smem:$0x3F9D];
	s0 =	simm.s32 @p1 $0x1  }
0x15: {  	[smem:$0x3FBA] =	sst s0;
	s0 =	simm.s32 @!p2 $0x0  }
0x16: {  	s3 =	sld [smem:$0x3FDB];
	s0 =	simm.s32 @p2 $0x1  }
0x17: {  	s4 =	simm.s32 $0x1BF5;
	[smem:$0x3FBC] =	sst s0  }
0x18: {  	s0 =	sld [smem:$0x3F9F];
	_ =	swait.ge [sflag:s4], $0x0  }
0x19: {  	s7 =	sld [smem:$0x3FA0]  }
0x1a: {  	s8 =	sadd.s32 $0xFFFFE003, lr  }
0x1b: {  	s9 =	sadd.s32 $0xFFFFFEF7, lr;
	s5 =	simm.s32 $0xFFFFFFFF;
	p2 =	slt.u32 s8, $0xFFFFF086  }
0x1c: {  	p1 =	slt.u32 s9, $0xF7A;
	s5 =	simm.s32 @!p2 $0x0  }
0x1d: {  	s5 =	simm.s32 @p1 $0x1;
	p0 =	seq.s32 s7, s2  }
0x1e: {  	s7 =	smul.u32 @!p0 $0xF7A, s2;
	p2 =	seq.s32 @!p0 s5, $0x0  }
0x1f: {  	s9 =	smul.u32 $0xF7A, s1;
	s8 =	simm.s32 @!p0 $0x1BF5;
	p2 =	por !p2, p0  }
0x20: {  	[sflag:s8] =	ssyncset.s32 @!p0 $0xFFFFF086;
	s6 =	sadd.s32 @!p0 s3, s7;
	s7 =	simm.s32 @!p0 $0x108  }
0x21: {  	s3 =	sadd.s32 s3, s9;
	s6 =	sadd.s32 @!p0 $0x88, s6;
	s7 =	simm.s32 @p2 $0x1082  }
0x22: {  	[simem:s7], [sflag:s8] =	dma.local @!p0 [hbm:s6], $0xF7A  }
0x23: {  	s9 =	sor.u32 $0xD0000000, s2;
	s6 =	simm.s32 $0x108;
	_ =	swait.ge @!p0 [sflag:s8], $0x0  }
0x24: {  	s3 =	sadd.s32 $0x88, s3;
	s6 =	simm.s32 @!p1 $0x1082;
	[sflag:s4] =	ssyncset.s32 $0xFFFFF086  }
0x25: {  	[simem:s6], [sflag:s4] =	dma.local [hbm:s3], $0xF7A  }
0x26: {  	[smem:$0x3FA0] =	sst s1;
	(tag) =	ssettag s2;
	_ =	strace s9  }
0x27: {  	s1 =	sld [smem:$0x3FB0]  }
0x28: {  	s2 =	sld [smem:$0x3FB1]  }
0x29: {  	s4 =	sld [smem:$0x3FB3]  }
0x2a: {  	p0 =	seq.s32 s5, $0x0;
	s5 =	sld [smem:$0x3FB4]  }
0x2b: {  	s6 =	sld [smem:$0x3FB5]  }
0x2c: {  	s7 =	sld [smem:$0x3FB6]  }
0x2d: {  	s3 =	simm.s32 $0x108;
	s8 =	sld [smem:$0x3FB7]  }
0x2e: {  	s3 =	simm.s32 @!p0 $0x1082;
	s9 =	sld [smem:$0x3FB8]  }
0x2f: {  	lr =	sadd.s32 s0, s3;
	s0 =	sld [smem:$0x3FAF]  }
0x30: {  	s3 =	sld [smem:$0x3FB2]  }
0x31: {  	[smem:$0x3FBB] =	sst s10  }
0x32: {  	s10 =	sld [smem:$0x3FB9];
	_ =	sdelay $0x3  }
0x33: {  	p0 =	seq.s32 s10, $0x1;
	s10 =	sld [smem:$0x3FBB];
	_ =	sdelay $0x3  }
0x34: {  	[smem:$0x3FBB] =	sst s10  }
0x35: {  	s10 =	sld [smem:$0x3FBA];
	_ =	sdelay $0x3  }
0x36: {  	p1 =	seq.s32 s10, $0x1;
	s10 =	sld [smem:$0x3FBB];
	_ =	sdelay $0x3  }
0x37: {  	[smem:$0x3FBB] =	sst s10  }
0x38: {  	s10 =	sld [smem:$0x3FBC]  }
0x39: {  	_ = 	snop;
	(pc) =	sbr.ind lr, $3  }
0x3a: {  	_ = 	snop  }
0x3b: {  	_ = 	snop  }
0x3c: {  	p2 =	seq.s32 s10, $0x1;
	s10 =	sld [smem:$0x3FBB]  }
0x3d: {  	_ =	shalt  }
0x3e: {  	_ =	shalt  }
0x3f: {  	_ =	shalt  }
0x40: {  	_ =	shalt  }
0x41: {  	_ =	shalt  }
0x42: {  	_ =	shalt  }
0x43: {  	_ =	shalt  }
0x44: {  	_ =	shalt  }
0x45: {  	_ =	shalt  }
0x46: {  	_ =	shalt  }
0x47: {  	_ =	shalt  }
0x48: {  	_ =	shalt  }
0x49: {  	_ =	shalt  }
0x4a: {  	_ =	shalt  }
0x4b: {  	_ =	shalt  }
0x4c: {  	_ =	shalt  }
0x4d: {  	_ =	shalt  }
0x4e: {  	_ =	shalt  }
0x4f: {  	_ =	shalt  }
0x50: {  	_ =	shalt  }
0x51: {  	_ =	shalt  }
0x52: {  	_ =	shalt  }
0x53: {  	_ =	shalt  }
0x54: {  	_ =	shalt  }
0x55: {  	_ =	shalt  }
0x56: {  	_ =	shalt  }
0x57: {  	_ =	shalt  }
0x58: {  	_ =	shalt  }
0x59: {  	_ =	shalt  }
0x5a: {  	_ =	shalt  }
0x5b: {  	_ =	shalt  }
0x5c: {  	_ =	shalt  }
0x5d: {  	_ =	shalt  }
0x5e: {  	_ =	shalt  }
0x5f: {  	_ =	shalt  }
0x60: {  	_ =	shalt  }
0x61: {  	_ =	shalt  }
0x62: {  	_ =	shalt  }
0x63: {  	_ =	shalt  }
0x64: {  	_ =	shalt  }
0x65: {  	_ =	shalt  }
0x66: {  	_ =	shalt  }
0x67: {  	_ =	shalt  }
0x68: {  	_ =	shalt  }
0x69: {  	_ =	shalt  }
0x6a: {  	_ =	shalt  }
0x6b: {  	_ =	shalt  }
0x6c: {  	_ =	shalt  }
0x6d: {  	_ =	shalt  }
0x6e: {  	_ =	shalt  }
0x6f: {  	_ =	shalt  }
0x70: {  	_ =	shalt  }
0x71: {  	_ =	shalt  }
0x72: {  	_ =	shalt  }
0x73: {  	_ =	shalt  }
0x74: {  	_ =	shalt  }
0x75: {  	_ =	shalt  }
0x76: {  	_ =	shalt  }
0x77: {  	_ =	shalt  }
0x78: {  	_ =	shalt  }
0x79: {  	_ =	shalt  }
0x7a: {  	_ =	shalt  }
0x7b: {  	_ =	shalt  }
0x7c: {  	_ =	shalt  }
0x7d: {  	_ =	shalt  }
0x7e: {  	_ =	shalt  }
0x7f: {  	_ =	shalt  }
0x80: {  	_ =	shalt  }
0x81: {  	_ =	shalt  }
0x82: {  	_ =	shalt  }
0x83: {  	_ =	shalt  }
0x84: {  	_ =	shalt  }
0x85: {  	_ =	shalt  }
0x86: {  	_ =	shalt  }
0x87: {  	_ =	shalt  }
.Lfunc_end0:
.L_simem_size_0:
called_computation.1_lowered:
.L_overlay_start_0:
0x88: {  	s2 =	sld [smem:$0x3FD9]  }
0x89: {  	s3 =	sld [smem:$0x3FFE];
	_ =	sdelay $0x1  }
0x8a: {  	s1 =	srdreg.scid  }
0x8b: {  	s0 =	sand.u32 $0x1, s1  }
0x8c: {  	s17 =	sshll.u32 s0, $0xA;
	s2 =	sadd.s32 s3, s2  }
0x8d: {  	s2 =	sadd.s32 s2, s17  }
0x8e: {  	[smem:$0x3FC7] =	sst s2  }
0x8f: {  	_ = 	snop  }
0x90: {  	s2 =	sld [smem:$0x3FD0];
	(tm) =	ssettm $0x1  }
0x91: {  	s18 =	sld [smem:$0x3FFB];
	_ =	sdelay $0x3  }
0x92: {  	_ =	strace s18  }
0x93: {  	s3 =	sld [smem:$0x3FFC];
	_ =	sdelay $0x3  }
0x94: {  	_ =	strace s3  }
0x95: {  	s3 =	sld [smem:$0x3FFD];
	_ =	sdelay $0x3  }
0x96: {  	_ =	strace s3  }
0x97: {  	_ =	strace $0x8FFFFFFF  }
0x98: {  	s19 =	sld [smem:$0x3FDB];
	_ =	sdelay $0x1  }
0x99: {  	s4 =	simm.s32 $_scs_section_size  }
0x9a: {  	s5 =	simm.s32 $_size__tile_overlayer_lowered;
	s6 =	simm.s32 $_tile_overlayer_lowered  }
0x9b: {  	s22 =	simm.s32 $0x1BFF;
	s21 =	sshll.u32 s6, $0x1;
	s3 =	sadd.s32 s4, s19  }
0x9c: {  	s7 =	simm.s32 $0x0;
	s20 =	sshll.u32 s5, $0x1;
	s5 =	sadd.s32 s21, s3  }
0x9d: {  	[timem:s7], [sflag:s22] =	dma.local [hbm:s5], s20  }
0x9e: {  	_ =	swait.ge [sflag:s22], s20  }
0x9f: {  	s4 =	ssub.s32 $0x0, s20;
	[sflag:s22] =	ssyncset.done $0x0  }
0xa0: {  	[sflag:s22] =	ssyncadd.s32 s4;
	_ =	sdelay $0x1  }
0xa1: {  	s23 =	simm.s32 $0x1B8B  }
0xa2: {  	_ =	swait.ge [sflag:s23], $0x1  }
0xa3: {  	[sflag:s23] =	ssyncset.done $0x0  }
0xa4: {  	s25 =	simm.s32 $0x1B8E;
	s24 =	sld [smem:$0x3FFE];
	[sflag:s23] =	ssyncadd.s32 $0xFFFFFFFF  }
0xa5: {  	s26 =	simm.s32 $execute0_lowered;
	[smem:$0x3FD2] =	sst s25  }
0xa6: {  	s5 =	sshll.u32 s26, $0x1;
	_ =	strace $0x80000046;
	[dreg:$0x1] =	wrdreg $0xFFFFFFFF  }
0xa7: {  	s28 =	simm.s32 $_size_execute0_lowered;
	s3 =	sadd.s32 s3, s5;
	[dreg:$0x0] =	wrdreg $0x0  }
0xa8: {  	s5 =	sshll.u32 s28, $0x1;
	[dreg:$0x2] =	wrdreg s3  }
0xa9: {  	[dreg:$0x3] =	wrdreg s5  }
0xaa: {  	[dreg:$0x4] =	wrdreg $0xC0  }
0xab: {  	_ =	task [dreg:s7], $0x5FFFF  }
0xac: {  	[dreg:$0x1] =	wrdreg $0xFFFFFFFF  }
0xad: {  	[dreg:$0x0] =	wrdreg $0x60  }
0xae: {  	[dreg:$0x2] =	wrdreg s24  }
0xaf: {  	[dreg:$0x3] =	wrdreg s2  }
0xb0: {  	[dreg:$0x4] =	wrdreg $0x9  }
0xb1: {  	_ =	task.clear_ibuf [dreg:s7], $0x5FFFF;
	_ =	strace $0x90000046  }
0xb2: {  	s29 =	simm.s32 $0x9;
	_ =	strace $0x80000048  }
0xb3: {  	_ =	swait.ge [sflag:s29], $0x1  }
0xb4: {  	[sflag:s29] =	ssyncadd.s32 $0xFFFFFFFF  }
0xb5: {  	_ =	strace $0x90000048  }
0xb6: {  	_ =	sfence  }
0xb7: {  	s30 =	sld [smem:$0x0];
	_ =	sdelay $0x2  }
0xb8: {  	s31 =	sshll.u32 s1, $0xD;
	s1 =	sshrl.u32 s1, $0x2  }
0xb9: {  	s3 =	sand.u32 $0x4000, s31;
	s1 =	sadd.s32 s1, s30  }
0xba: {  	s0 =	sor.u32 s3, s0;
	s1 =	sshll.u32 s1, $0x11  }
0xbb: {  	s0 =	sor.u32 s1, s0  }
0xbc: {  	s0 =	sadd.s32 $0x8F2B, s0  }
0xbd: {  	[sflag:s0] =	ssyncadd.remote.s32 $0x1  }
0xbe: {  	_ =	sfence.sel $0xFFFF  }
0xbf: {  	[dreg:$0x0] =	wrdreg $0xFFFFFFFF;
	(pc) =	sbr.abs _section_cstart, $3  }
0xc0: {  	[dreg:$0x1] =	wrdreg $0xFFFFFFFF  }
0xc1: {  	_ =	task.clear_ibuf [dreg:s7], $0x2FFFF;
	_ =	strace $0x9FFFFFFF  }
0xc2: {  	(tm) =	ssettm $0x7FFFFFFF  }
0xc3: {  	_ =	shalt  }
tec
execute0_lowered:
.L_overlay_start_1:
0x0: {  	(tag) =	ssettag $0x1  }
0x1: {  	vm1 =	vcmask $0x300  }
0x2: {  	v0 =	vimm.s32 $0x1388;
	vm11 =	vcmask $0x704;
	vm10 =	vcmask $0xB08  }
0x3: {  	vm2 =	vcmask $0xF0C;
	vm4 =	vcmask $0x1310;
	vm8 =	vcmask $0x1714  }
0x4: {  	v2 =	vlaneseq.u32;
	vm9 =	vcmask $0x1B18;
	vm7 =	vcmask $0x1F1C  }
0x5: {  	vm6 =	vcmask $0x2320;
	vm5 =	vcmask $0x2724;
	v4 =	vimm.s32 $0x2AF8  }
0x6: {  	vm3 =	vcmask $0x2B28;
	v5 =	vimm.s32 $0x3E8;
	vm0 =	vcmask $0x2F2C  }
0x7: {  	vm15 =	vcmask $0x3330;
	vm12 =	vcmask $0x3B38;
	vm13 =	vcmask $0x2700  }
0x8: {  	v6 =	vimm.s32 $0x6590;
	vm14 =	vcmask $0xF00;
	v8 =	vimm.s32 $0xCB20  }
0x9: {  	v0 =	vsel vm1, $0x3E80, v0;
	v4 =	vsel vm1, $0x55F0, v4;
	v5 =	vsel vm1, $0x2EE0, v5  }
0xa: {  	v0 =	vsel vm11, $0x4268, v0;
	v4 =	vsel vm11, $0x59D8, v4;
	v5 =	vsel vm11, $0x32C8, v5  }
0xb: {  	vm11 =	vcmask $0x3734;
	v0 =	vsel vm10, $0x4650, v0;
	v4 =	vsel vm10, $0x5DC0, v4  }
0xc: {  	v5 =	vsel vm10, $0x36B0, v5;
	v1 =	vsel vm2, $0x4A38, v0;
	v0 =	vimm.f32 $0.0e+00  }
0xd: {  	v4 =	vsel vm2, $0x61A8, v4;
	v5 =	vsel vm2, $0x3A98, v5;
	v1 =	vsel vm4, $0x4E20, v1  }
0xe: {  	v4 =	vsel vm4, $0x0, v4;
	v5 =	vsel vm4, $0x3E80, v5;
	v3 =	vsel vm8, $0x5208, v1  }
0xf: {  	v1 =	vmul.u32 $0x3E8, v2;
	v2 =	vimm.f32 $1.000000000e+00;
	v4 =	vsel vm8, $0x3E8, v4  }
0x10: {  	v5 =	vsel vm8, $0x4268, v5;
	v3 =	vsel vm9, $0x55F0, v3;
	v4 =	vsel vm9, $0x7D0, v4  }
0x11: {  	v5 =	vsel vm9, $0x4650, v5;
	v3 =	vsel vm7, $0x59D8, v3;
	v4 =	vsel vm7, $0xBB8, v4  }
0x12: {  	v5 =	vsel vm7, $0x4A38, v5;
	v10 =	vadd.s32 $0x7D0, v1;
	v3 =	vsel vm6, $0x5DC0, v3  }
0x13: {  	s1 =	srdreg.scid;
	s3 =	rddreg [dreg:$0x0];
	v11 =	vadd.s32 $0x2710, v1;
	v4 =	vsel vm6, $0xFA0, v4;
	v3 =	vsel vm5, $0x61A8, v3  }
0x14: {  	s0 =	stileid.u32;
	s5 =	rddreg [dreg:$0x1];
	v5 =	vsel vm6, $0x4E20, v5;
	v4 =	vsel vm5, $0x1388, v4;
	v3 =	vsel vm3, $0x0, v3  }
0x15: {  	s2 =	simm.s32 $0x0;
	s4 =	sand.u32 $0x1, s1;
	s1 =	rddreg [dreg:$0x2];
	v5 =	vsel vm5, $0x5208, v5;
	v4 =	vsel vm3, $0x1770, v4;
	v3 =	vsel vm0, $0x3E8, v3  }
0x16: {  	s29 =	sshll.u32 s0, $0x1;
	[smem:$0x7FF] =	sst s2;
	s8 =	smul.u32 $0xCB200, s0;
	v7 =	vsel vm0, $0x1B58, v4;
	v4 =	vsel vm13, $0x0, v6;
	v3 =	vsel vm15, $0x7D0, v3  }
0x17: {  	s6 =	sor.u32 s4, s29;
	s7 =	ssub.s32 $0x2, s4;
	s9 =	smul.u32 $0x65900, s4;
	v6 =	vsel vm15, $0x1F40, v7;
	v7 =	vsel vm3, $0x55F0, v5;
	v5 =	vadd.s32 $0x1770, v1  }
0x18: {  	_ =	strace $0x80000047;
	s6 =	smul.u32 $0x1A0, s6;
	s30 =	sshrl.u32 s7, $0x1;
	v3 =	vsel vm11, $0xBB8, v3;
	v6 =	vsel vm11, $0x2328, v6;
	v7 =	vsel vm0, $0x59D8, v7  }
0x19: {  	s5 =	sadd.s32 s8, s5;
	s8 =	simm.s32 $0x0;
	s31 =	ssub.s32 s7, s30;
	v3 =	vsel vm12, $0xFA0, v3;
	v9 =	vsel vm15, $0x5DC0, v7;
	v7 =	vsel vm14, $0x6590, v8  }
0x1a: {  	s5 =	sadd.s32 s9, s5;
	s7 =	simm.s32 $0xD00;
	s3 =	sadd.s32 s6, s3;
	vm15 =	vcmask $0x3700;
	v8 =	vsel vm11, $0x61A8, v9;
	v9 =	vimm.s32 $0x130B0  }
0x1b: {  	s4 =	smax.u32 s31, $0x1;
	s6 =	simm.s32 $0x1;
	s3 =	sadd.s32 $0x800, s3;
	v6 =	vsel vm12, $0x2710, v6;
	v8 =	vsel vm12, $0x0, v8;
	v9 =	vsel vm15, $0xCB20, v9  }
.LBB2_1:
0x1c: {  	[tilespmem:s2], [sflag:$0x1] =	stream.linear.gather [hbm4b:s3+s2], $0xD00, $0x38;
	[tilespmem:$0x1A340] =	vst v63  }
0x1d: {  	s9 =	smul.u32 $0x50A9, s2  }
0x1e: {  	_ =	swait.ge [sflag:s6], $0xD00  }
0x1f: {  	s11 =	simm.s32 $0x0;
	[sflag:s6] =	ssyncset.done $0x0;
	s10 =	sshrl.u32 s9, $0x19  }
0x20: {  	s9 =	simm.s32 $0x1;
	[sflag:s6] =	ssyncadd.s32 $0xFFFFF300;
	s12 =	smul.u32 $0x659, s10  }
.LBB2_2:
0x21: {  	s13 =	smul.u32 $0x50A9, s9  }
0x22: {  	s14 =	smov.u32 s9;
	s10 =	smul.u32 $0x19640, s10;
	p0 =	sne.s32 s9, $0x1963  }
.Ltmp0:
0x23: {  	s11 =	ssub.s32 s11, s12;
	(pc) =	sbr.rel @p0 .LBB2_2-.Ltmp0, $4  }
0x24: {  	s9 =	sadd.s32 $0x1, s9;
	s11 =	sand.u32 $0xFFFF, s11  }
0x25: {  	s12 =	sshrl.u32 s10, $0x2;
	s15 =	sshll.u32 s11, $0x4;
	s11 =	smov.u32 s14  }
0x26: {  	s10 =	sshrl.u32 s13, $0x19;
	s13 =	sadd.s32 s15, s12  }
0x27: {  	s12 =	smul.u32 $0x659, s10;
	[tilespmem:s13+$0xD00] =	vst v0  }
0x28: {  	_ = 	snop  }
0x29: {  	s10 =	smul.u32 $0x19640, s10;
	s9 =	ssub.s32 s11, s12  }
0x2a: {  	s9 =	sand.u32 $0xFFFF, s9  }
0x2b: {  	s10 =	sshrl.u32 s10, $0x2;
	s9 =	sshll.u32 s9, $0x4  }
0x2c: {  	s9 =	sadd.s32 s9, s10  }
0x2d: {  	s10 =	simm.s32 $0x30;
	[tilespmem:s9+$0xD00] =	vst v0;
	s9 =	simm.s32 $0x0  }
.LBB2_4:
0x2e: {  	v12 =	vld [tilespmem:s10+$0xFFFFFFD0];
	_ =	sdelay $0x4  }
0x2f: {  	v12 =	vadd.s32 v1, v12;
	_ =	sdelay $0x4  }
0x30: {  	[tilespmem:v12+s7+$0x0] =	vst.idx.msk $0xffff, v2  }
0x31: {  	v12 =	vld [tilespmem:s10+$0xFFFFFFE0];
	_ =	sdelay $0x4  }
0x32: {  	v13 =	vadd.s32 v3, v12  }
0x33: {  	v12 =	vand.u32 $0x7, v12;
	v13 =	vand.u32 $0xFFFFFFF8, v13  }
0x34: {  	v12 =	vor.u32 v12, v13  }
0x35: {  	v12 =	vadd.s32 v4, v12;
	_ =	sdelay $0x4  }
0x36: {  	[tilespmem:v12+s7+$0x0] =	vst.idx.msk $0xffff, v2  }
0x37: {  	v12 =	vld [tilespmem:s10+$0xFFFFFFF0];
	_ =	sdelay $0x4  }
0x38: {  	v52 =	vadd.s32 v5, v12  }
0x39: {  	v12 =	vand.u32 $0x7, v12;
	v13 =	vand.u32 $0xFFFFFFF8, v52  }
0x3a: {  	v12 =	vor.u32 v12, v13  }
0x3b: {  	v12 =	vadd.s32 $0x6590, v12;
	_ =	sdelay $0x4  }
0x3c: {  	[tilespmem:v12+s7+$0x0] =	vst.idx.msk $0xffff, v2  }
0x3d: {  	v12 =	vld [tilespmem:s10+$0x0];
	_ =	sdelay $0x4  }
0x3e: {  	v53 =	vadd.s32 v6, v12  }
0x3f: {  	v12 =	vand.u32 $0x7, v12;
	v13 =	vand.u32 $0xFFFFFFF8, v53  }
0x40: {  	v12 =	vor.u32 v12, v13  }
0x41: {  	v12 =	vadd.s32 v7, v12;
	_ =	sdelay $0x4  }
0x42: {  	[tilespmem:v12+s7+$0x0] =	vst.idx.msk $0xffff, v2  }
0x43: {  	v12 =	vld [tilespmem:s10+$0x10];
	_ =	sdelay $0x4  }
0x44: {  	v54 =	vadd.s32 v8, v12  }
0x45: {  	v12 =	vand.u32 $0x7, v12;
	v13 =	vand.u32 $0xFFFFFFF8, v54  }
0x46: {  	v12 =	vor.u32 v12, v13  }
0x47: {  	v12 =	vadd.s32 v9, v12;
	_ =	sdelay $0x4  }
0x48: {  	[tilespmem:v12+s7+$0x0] =	vst.idx.msk $0xffff, v2  }
0x49: {  	v12 =	vld [tilespmem:s10+$0x20];
	_ =	sdelay $0x4  }
0x4a: {  	v55 =	vadd.s32 v10, v12  }
0x4b: {  	v12 =	vand.u32 $0x7, v12;
	v13 =	vand.u32 $0xFFFFFFF8, v55  }
0x4c: {  	v12 =	vor.u32 v12, v13  }
0x4d: {  	v12 =	vadd.s32 $0x130B0, v12;
	_ =	sdelay $0x4  }
0x4e: {  	[tilespmem:v12+s7+$0x0] =	vst.idx.msk $0xffff, v2  }
0x4f: {  	v12 =	vld [tilespmem:s10+$0x28];
	_ =	sdelay $0x4  }
0x50: {  	v56 =	vadd.s32 v11, v12  }
0x51: {  	v12 =	vand.u32 $0x7, v12;
	v13 =	vand.u32 $0xFFFFFFF8, v56  }
0x52: {  	v12 =	vor.u32 v12, v13  }
0x53: {  	v12 =	vadd.s32 $0x130B0, v12;
	_ =	sdelay $0x4  }
0x54: {  	s11 =	sadd.s32 s9, s5;
	[tilespmem:v12+s7+$0x0] =	vst.idx.msk $0xffff, v2  }
0x55: {  	[hbm4b:s11+s2] =	stream.linear.scatter [tilespmem:s7], [sflag:$0x1], $0x19640, $0x38;
	[tilespmem:$0x1A340] =	vst v63  }
0x56: {  	_ =	swait.ge [sflag:s6], $0x19640  }
0x57: {  	[sflag:s6] =	ssyncset.done $0x0  }
0x58: {  	[sflag:s6] =	ssyncadd.s32 $0xFFFE69C0  }
0x59: {  	v57 =	vld [tilespmem:s10+$0xFFFFFFD0];
	_ =	sdelay $0x4  }
0x5a: {  	v12 =	vadd.s32 v1, v57;
	_ =	sdelay $0x4  }
0x5b: {  	[tilespmem:v12+s7+$0x0] =	vst.idx.msk $0xffff, v0  }
0x5c: {  	v12 =	vld [tilespmem:s10+$0xFFFFFFE0];
	_ =	sdelay $0x4  }
0x5d: {  	v58 =	vadd.s32 v3, v12  }
0x5e: {  	v12 =	vand.u32 $0x7, v12;
	v13 =	vand.u32 $0xFFFFFFF8, v58  }
0x5f: {  	v12 =	vor.u32 v12, v13  }
0x60: {  	v12 =	vadd.s32 v4, v12;
	_ =	sdelay $0x4  }
0x61: {  	[tilespmem:v12+s7+$0x0] =	vst.idx.msk $0xffff, v0  }
0x62: {  	v12 =	vld [tilespmem:s10+$0xFFFFFFF0];
	_ =	sdelay $0x4  }
0x63: {  	v59 =	vadd.s32 v5, v12  }
0x64: {  	v12 =	vand.u32 $0x7, v12;
	v13 =	vand.u32 $0xFFFFFFF8, v59  }
0x65: {  	v12 =	vor.u32 v12, v13  }
0x66: {  	v12 =	vadd.s32 $0x6590, v12;
	_ =	sdelay $0x4  }
0x67: {  	[tilespmem:v12+s7+$0x0] =	vst.idx.msk $0xffff, v0  }
0x68: {  	v12 =	vld [tilespmem:s10+$0x0];
	_ =	sdelay $0x4  }
0x69: {  	v60 =	vadd.s32 v6, v12  }
0x6a: {  	v12 =	vand.u32 $0x7, v12;
	v13 =	vand.u32 $0xFFFFFFF8, v60  }
0x6b: {  	v12 =	vor.u32 v12, v13  }
0x6c: {  	v12 =	vadd.s32 v7, v12;
	_ =	sdelay $0x4  }
0x6d: {  	[tilespmem:v12+s7+$0x0] =	vst.idx.msk $0xffff, v0  }
0x6e: {  	v12 =	vld [tilespmem:s10+$0x10];
	_ =	sdelay $0x4  }
0x6f: {  	v61 =	vadd.s32 v8, v12  }
0x70: {  	v12 =	vand.u32 $0x7, v12;
	v13 =	vand.u32 $0xFFFFFFF8, v61  }
0x71: {  	v12 =	vor.u32 v12, v13  }
0x72: {  	v12 =	vadd.s32 v9, v12;
	_ =	sdelay $0x4  }
0x73: {  	[tilespmem:v12+s7+$0x0] =	vst.idx.msk $0xffff, v0  }
0x74: {  	v12 =	vld [tilespmem:s10+$0x20];
	_ =	sdelay $0x4  }
0x75: {  	v62 =	vadd.s32 v10, v12  }
0x76: {  	v12 =	vand.u32 $0x7, v12;
	v13 =	vand.u32 $0xFFFFFFF8, v62  }
0x77: {  	v12 =	vor.u32 v12, v13  }
0x78: {  	v12 =	vadd.s32 $0x130B0, v12;
	_ =	sdelay $0x4  }
0x79: {  	[tilespmem:v12+s7+$0x0] =	vst.idx.msk $0xffff, v0  }
0x7a: {  	v12 =	vld [tilespmem:s10+$0x28];
	_ =	sdelay $0x4  }
0x7b: {  	v63 =	vadd.s32 v11, v12  }
0x7c: {  	v12 =	vand.u32 $0x7, v12;
	v13 =	vand.u32 $0xFFFFFFF8, v63  }
0x7d: {  	v12 =	vor.u32 v12, v13  }
0x7e: {  	p0 =	sne.s32 s9, $0x62638;
	v12 =	vadd.s32 $0x130B0, v12  }
.Ltmp1:
0x7f: {  	_ = 	snop;
	(pc) =	sbr.rel @p0 .LBB2_4-.Ltmp1, $2  }
0x80: {  	_ =	sdelay $0x2  }
0x81: {  	s9 =	sadd.s32 $0x32C8, s9;
	s10 =	sadd.s32 $0x68, s10;
	[tilespmem:v12+s7+$0x0] =	vst.idx.msk $0xffff, v0  }
0x82: {  	s8 =	sadd.s32 $0x1, s8  }
0x83: {  	p0 =	sne.s32 s8, s4  }
.Ltmp2:
0x84: {  	_ = 	snop;
	(pc) =	sbr.rel @p0 .LBB2_1-.Ltmp2, $1  }
0x85: {  	_ =	sdelay $0x3  }
0x86: {  	_ =	sfence.sel $0x180000  }
0x87: {  	[bflag:$0x0] =	sbarrier.arrive $0xFFFF  }
0x88: {  	p0 =	sne.s32 s0, $0x0;
	_ =	strace $0x90000047  }
0x89: {  	s0 =	sadd.s32 @!p0 $0x100000, s1;
	[bflag:$0x2] =	sbarrier.arrive $0xFFFF  }
0x8a: {  	[sflag:s0] =	ssyncadd.tile.s32 @!p0 $0x1;
	_ =	shalt  }
.Lfunc_end2:
_tile_overlayer_lowered:
.L_overlay_start_2:
0x8b: {  	(tag) =	ssettag $0x2  }
0x8c: {  	s0 =	rddreg [dreg:$0x0];
	s2 =	stileid.u32  }
0x8d: {  	s1 =	rddreg [dreg:$0x1];
	p0 =	sne.s32 s2, $0x0  }
0x8e: {  	s3 =	rddreg [dreg:$0x2];
	[bflag:$0x3] =	sbarrier.arrive $0xFFFF;
	s2 =	simm.s32 @!p0 $0x1C01  }
0x8f: {  	[timem:s3], [sflag:s2] =	dma.local @!p0 [hbm:s0], s1  }
0x90: {  	s0 =	simm.s32 @!p0 $0x1  }
0x91: {  	_ =	swait.ge @!p0 [sflag:s0], s1  }
0x92: {  	s1 =	ssub.s32 @!p0 $0x0, s1;
	[sflag:s0] =	ssyncset.done @!p0 $0x0  }
0x93: {  	[sflag:s0] =	ssyncadd.s32 @!p0 s1  }
0x94: {  	[bflag:$0x3] =	sbarrier.arrive $0xFFFF  }
0x95: {  	_ =	shalt  }

// kernel: sparse-core-data-format-call.cloned.1.call-start
scs
called_computation_lowered:
.L_overlay_start_0:
0x0: {  	s2 =	sld [smem:$0x3FD9]  }
0x1: {  	s3 =	sld [smem:$0x3FFE];
	_ =	sdelay $0x1  }
0x2: {  	s1 =	srdreg.scid  }
0x3: {  	s0 =	sand.u32 $0x1, s1  }
0x4: {  	s18 =	sshll.u32 s0, $0xA;
	s2 =	sadd.s32 s3, s2  }
0x5: {  	s2 =	sadd.s32 s2, s18  }
0x6: {  	[smem:$0x3FC7] =	sst s2  }
0x7: {  	_ = 	snop  }
0x8: {  	s2 =	sld [smem:$0x3FD0];
	(tm) =	ssettm $0x1  }
0x9: {  	s19 =	sld [smem:$0x3FFB];
	_ =	sdelay $0x3  }
0xa: {  	_ =	strace s19  }
0xb: {  	s3 =	sld [smem:$0x3FFC];
	_ =	sdelay $0x3  }
0xc: {  	_ =	strace s3  }
0xd: {  	s3 =	sld [smem:$0x3FFD];
	_ =	sdelay $0x3  }
0xe: {  	_ =	strace s3  }
0xf: {  	_ =	strace $0x8FFFFFFF  }
0x10: {  	s20 =	sld [smem:$0x3FDB];
	_ =	sdelay $0x1  }
0x11: {  	s4 =	simm.s32 $_scs_section_size  }
0x12: {  	s5 =	simm.s32 $_size__tile_overlayer_lowered;
	s6 =	simm.s32 $_tile_overlayer_lowered  }
0x13: {  	s23 =	simm.s32 $0x1BFF;
	s22 =	sshll.u32 s6, $0x1;
	s3 =	sadd.s32 s4, s20  }
0x14: {  	s7 =	simm.s32 $0x0;
	s21 =	sshll.u32 s5, $0x1;
	s5 =	sadd.s32 s22, s3  }
0x15: {  	[timem:s7], [sflag:s23] =	dma.local [hbm:s5], s21  }
0x16: {  	_ =	swait.ge [sflag:s23], s21  }
0x17: {  	s4 =	ssub.s32 $0x0, s21;
	[sflag:s23] =	ssyncset.done $0x0  }
0x18: {  	[sflag:s23] =	ssyncadd.s32 s4;
	_ =	sdelay $0x1  }
0x19: {  	s24 =	simm.s32 $0x1B8B  }
0x1a: {  	_ =	swait.ge [sflag:s24], $0x1  }
0x1b: {  	[sflag:s24] =	ssyncset.done $0x0  }
0x1c: {  	s26 =	simm.s32 $0x1B8E;
	s25 =	sld [smem:$0x3FFE];
	[sflag:s24] =	ssyncadd.s32 $0xFFFFFFFF  }
0x1d: {  	s27 =	simm.s32 $execute0_lowered;
	[smem:$0x3FD2] =	sst s26  }
0x1e: {  	s5 =	sshll.u32 s27, $0x1;
	_ =	strace $0x80000049;
	[dreg:$0x1] =	wrdreg $0xFFFFFFFF  }
0x1f: {  	s28 =	simm.s32 $_size_execute0_lowered;
	s3 =	sadd.s32 s3, s5;
	[dreg:$0x0] =	wrdreg $0x0  }
0x20: {  	s5 =	sshll.u32 s28, $0x1;
	[dreg:$0x2] =	wrdreg s3  }
0x21: {  	[dreg:$0x3] =	wrdreg s5  }
0x22: {  	[dreg:$0x4] =	wrdreg $0xC0  }
0x23: {  	_ =	task [dreg:s7], $0x5FFFF  }
0x24: {  	[dreg:$0x1] =	wrdreg $0xFFFFFFFF  }
0x25: {  	[dreg:$0x0] =	wrdreg $0x60  }
0x26: {  	[dreg:$0x2] =	wrdreg s25  }
0x27: {  	[dreg:$0x3] =	wrdreg s2  }
0x28: {  	[dreg:$0x4] =	wrdreg $0x9  }
0x29: {  	_ =	task.clear_ibuf [dreg:s7], $0x5FFFF;
	_ =	strace $0x90000049  }
0x2a: {  	s29 =	simm.s32 $0x9;
	_ =	strace $0x8000004B  }
0x2b: {  	_ =	swait.ge [sflag:s29], $0x1  }
0x2c: {  	[sflag:s29] =	ssyncadd.s32 $0xFFFFFFFF  }
0x2d: {  	_ =	strace $0x9000004B  }
0x2e: {  	_ =	sfence  }
0x2f: {  	s30 =	sld [smem:$0x0];
	_ =	sdelay $0x2  }
0x30: {  	s31 =	sshll.u32 s1, $0xD;
	s1 =	sshrl.u32 s1, $0x2  }
0x31: {  	s3 =	sand.u32 $0x4000, s31;
	s1 =	sadd.s32 s1, s30  }
0x32: {  	s0 =	sor.u32 s3, s0;
	s1 =	sshll.u32 s1, $0x11  }
0x33: {  	s0 =	sor.u32 s1, s0  }
0x34: {  	s0 =	sadd.s32 $0x8F2B, s0  }
0x35: {  	[sflag:s0] =	ssyncadd.remote.s32 $0x1  }
0x36: {  	_ =	sfence.sel $0xFFFF  }
0x37: {  	[dreg:$0x0] =	wrdreg $0xFFFFFFFF;
	(pc) =	sbr.abs _section_cstart, $3  }
0x38: {  	[dreg:$0x1] =	wrdreg $0xFFFFFFFF  }
0x39: {  	_ =	task.clear_ibuf [dreg:s7], $0x2FFFF;
	_ =	strace $0x9FFFFFFF  }
0x3a: {  	(tm) =	ssettm $0x7FFFFFFF  }
0x3b: {  	_ =	shalt  }
tec
execute0_lowered:
.L_overlay_start_1:
0x0: {  	(tag) =	ssettag $0x1  }
0x1: {  	s0 =	srdreg.scid  }
0x2: {  	s1 =	sshll.u32 s0, $0x4  }
0x3: {  	s6 =	rddreg [dreg:$0x0];
	s0 =	stileid.u32;
	s1 =	sand.u32 $0x10, s1  }
0x4: {  	s3 =	rddreg [dreg:$0x1];
	s1 =	sor.u32 s0, s1  }
0x5: {  	s5 =	simm.s32 $0x1;
	s31 =	simm.s32 $0x2;
	s2 =	sshll.u32 s1, $0x7  }
0x6: {  	s15 =	simm.s32 $0x0;
	s8 =	simm.s32 $0x8000;
	s4 =	ssub.s32 $0x1000, s2  }
0x7: {  	s14 =	simm.s32 $0x0;
	s9 =	simm.s32 $0x0;
	s30 =	sand.u32 $0xF80, s4  }
0x8: {  	s10 =	simm.s32 $0x0;
	s11 =	simm.s32 $0x0;
	p0 =	sne.s32 s30, $0x0  }
.Ltmp0:
0x9: {  	s7 =	sshrl.u32 s4, $0xC;
	s5 =	simm.s32 @!p0 $0x0;
	(pc) =	sbr.rel .LBB1_1-.Ltmp0, $4  }
0xa: {  	s13 =	simm.s32 $0x0;
	s1 =	rddreg [dreg:$0x2];
	s5 =	sadd.s32 s5, s7  }
0xb: {  	_ =	strace $0x8000004A;
	s4 =	simm.s32 $0x1;
	s5 =	smul.u32 $0xCC, s5  }
0xc: {  	s6 =	sadd.s32 $0x800, s6;
	s12 =	smov.u32 s2;
	[sflag:s4] =	ssyncpa.u1 $0x0  }
0xd: {  	[sflag:s31] =	ssyncpa.u1 $0x0;
	p0 =	por $0x0, $0x0;
	s7 =	sor.u32 $0x1, s5  }
.LBB1_4:
0xe: {  	s20 =	sshra.s32 s20, $0x2;
	s27 =	sshll.u32 s9, $0xC  }
0xf: {  	s21 =	sand.u32 $0x78, s10;
	s22 =	sshll.u32 s10, $0x3;
	s24 =	sshll.u32 s9, $0x7  }
0x10: {  	p1 =	sgt.s32 s9, $0x6510;
	s30 =	sshra.s32 s9, $0x1F;
	s25 =	sshra.s32 s10, $0x1F  }
0x11: {  	s19 =	sadd.s32 s20, s19;
	s20 =	sand.u32 $0xFFFF8000, s27;
	s23 =	sand.u32 $0xFFFFFC00, s22  }
0x12: {  	v5 =	vld [tilespmem:s17+$0xFFFFFFD0];
	[tilespmem:s18+$0x2040 ss:$0x81] =	vst.msk $0xffff, v4;
	s22 =	sand.u32 $0xC00, s22;
	s28 =	sand.u32 $0x380, s24;
	s31 =	sand.u32 s30, s9  }
0x13: {  	v58 =	vld [tilespmem:s17+$0xFFFFFFE0];
	[tilespmem:s18+$0x2850 ss:$0x81] =	vst.msk $0xffff, v3;
	s24 =	smov.u32 s10;
	s25 =	sand.u32 s25, s10;
	s21 =	sor.u32 s21, s22  }
0x14: {  	v59 =	vld [tilespmem:s17+$0xFFFFFFF0];
	[tilespmem:s18+$0x3060 ss:$0x81] =	vst.msk $0xffff, v2;
	s20 =	sadd.s32 s23, s20;
	s22 =	smov.u32 s9;
	s21 =	sor.u32 s28, s21  }
0x15: {  	v60 =	vld [tilespmem:s17+$0x0];
	[tilespmem:s18+$0x0 ss:$0x81] =	vst.msk $0xffff, v1;
	s20 =	sshrl.u32 s20, $0xC;
	s22 =	simm.s32 @!p1 $0x6510;
	p1 =	sgt.s32 s10, $0xF80  }
0x16: {  	v61 =	vld [tilespmem:s17+$0x10];
	[tilespmem:s19+$0x3870 ss:$0x81] =	vst.msk $0xffff, v0;
	s29 =	smulhi.u32 $0x142A39, s20;
	s18 =	ssub.s32 s22, s31;
	s24 =	simm.s32 @!p1 $0xF80  }
0x17: {  	v62 =	vld [tilespmem:s17+$0x20];
	[tilespmem:s19+$0x810 ss:$0x81] =	vst.msk $0xffff, v5;
	s22 =	ssub.s32 s24, s25;
	s26 =	sadd.s32 $0xFFFF9AF0, s18;
	s18 =	ssub.s32 $0x6590, s18  }
0x18: {  	v63 =	vld [tilespmem:s17+$0xFFFFFFC0];
	[tilespmem:s19+$0x1020 ss:$0x81] =	vst.msk $0xffff, v58;
	s23 =	sshrl.u32 s29, $0x3;
	p1 =	sgt.s32 s26, $0x7F;
	s28 =	sadd.s32 $0xFFFFF080, s22  }
0x19: {  	[tilespmem:s19+$0x1830 ss:$0x81] =	vst.msk $0xffff, v59;
	s22 =	ssub.s32 $0x1000, s22;
	s27 =	smul.u32 $0x6590, s23;
	p2 =	sgt.s32 s28, $0x7F  }
0x1a: {  	s30 =	sand.u32 $0x7, s10;
	[tilespmem:s19+$0x2040 ss:$0x81] =	vst.msk $0xffff, v60;
	s18 =	simm.s32 @p1 $0x0;
	s22 =	simm.s32 @p2 $0x0  }
0x1b: {  	[tilespmem:s19+$0x2850 ss:$0x81] =	vst.msk $0xffff, v61;
	s29 =	sshrl.u32 s21, $0x3;
	s17 =	ssub.s32 s20, s27;
	s18 =	smul.u32 s22, s18  }
0x1c: {  	[tilespmem:s19+$0x3060 ss:$0x81] =	vst.msk $0xffff, v62;
	s21 =	sshll.u32 s30, $0x12;
	s20 =	sadd.s32 s3, s29;
	s17 =	sshll.u32 s17, $0x9  }
0x1d: {  	[tilespmem:s19+$0x0 ss:$0x81] =	vst.msk $0xffff, v63;
	s31 =	sor.u32 $0x400, s21;
	s18 =	sand.u32 $0x3FFFFFFF, s18;
	s17 =	sadd.s32 s17, s20  }
0x1e: {  	[hbm4b:s17+s31] =	stream.strided.scatter [tilespmem:s16], [sflag:$0x2], s18, s8, s31, $0x20;
	[tilespmem:$0x10100] =	vst v63  }
.LBB1_5:
0x1f: {  	p1 =	slt.u32 s13, $0x2  }
0x20: {  	s17 =	smov.u32 s15;
	p2 =	sgt.s32 @!p1 s15, $0x6510;
	s16 =	sshra.s32 @!p1 s15, $0x1F  }
0x21: {  	p3 =	sgt.s32 @!p1 s14, $0xF80;
	s18 =	sshra.s32 @!p1 s14, $0x1F;
	p2 =	por !p2, p1  }
0x22: {  	s15 =	sand.u32 @!p1 s16, s15;
	p3 =	por !p3, p1;
	s16 =	smov.u32 s14  }
0x23: {  	s14 =	sand.u32 @!p1 s18, s14;
	s17 =	simm.s32 @p2 $0x6510;
	s16 =	simm.s32 @p3 $0xF80  }
0x24: {  	s15 =	ssub.s32 @!p1 s17, s15;
	s14 =	ssub.s32 @!p1 s16, s14  }
0x25: {  	s18 =	smov.u32 s12;
	s16 =	sadd.s32 @!p1 $0xFFFF9AF0, s15;
	s17 =	sadd.s32 @!p1 $0xFFFFF080, s14  }
0x26: {  	s15 =	ssub.s32 @!p1 $0x6590, s15;
	p2 =	sgt.s32 @!p1 s16, $0x7F;
	p3 =	sgt.s32 @!p1 s17, $0x7F  }
0x27: {  	s14 =	ssub.s32 @!p1 $0x1000, s14;
	p2 =	por !p2, p1;
	p3 =	por !p3, p1  }
0x28: {  	s16 =	sadd.s32 $0x80, s11;
	s15 =	simm.s32 @!p2 $0x0;
	s14 =	simm.s32 @!p3 $0x0  }
0x29: {  	p2 =	sgt.s32 s16, $0x658F;
	s14 =	smul.u32 @!p1 s14, s15;
	s15 =	sadd.s32 $0x1000, s12  }
0x2a: {  	s18 =	smov.u32 @p2 s15  }
0x2b: {  	s16 =	simm.s32 @p2 $0x0;
	p2 =	sgt.s32 s18, $0xFFF  }
0x2c: {  	s18 =	smov.u32 @p2 s2;
	p2 =	sne.s32 s13, s7  }
.Ltmp1:
0x2d: {  	p0 =	por !p0, !p0;
	s17 =	simm.s32 @!p1 $0x2;
	(pc) =	sbr.rel @!p2 .LBB1_6-.Ltmp1, $4  }
0x2e: {  	s15 =	smov.u32 s9;
	s9 =	smov.u32 s11;
	s14 =	sand.u32 @!p1 $0x3FFFFFFF, s14  }
0x2f: {  	s11 =	smov.u32 s16;
	_ =	swait.ge @!p1 [sflag:s17], s14;
	s19 =	ssub.s32 @!p1 $0x0, s14  }
0x30: {  	s14 =	smov.u32 s10;
	s13 =	sadd.s32 $0x1, s13;
	[sflag:s17] =	ssyncset.done @!p1 $0x0  }
0x31: {  	s10 =	smov.u32 s12;
	s12 =	smov.u32 s18;
	[sflag:s17] =	ssyncadd.s32 @!p1 s19  }
.LBB1_1:
0x32: {  	p1 =	sge.u32 s13, s5  }
0x33: {  	s16 =	sshrl.u32 @!p1 s12, $0x3  }
0x34: {  	s17 =	sshll.u32 @!p1 s11, $0x3;
	s16 =	smul.u32 @!p1 $0x33000, s16  }
0x35: {  	s18 =	sshll.u32 @!p1 s12, $0x7;
	s17 =	sand.u32 @!p1 $0xFFFFFC00, s17  }
0x36: {  	s16 =	sadd.s32 @!p1 s16, s17;
	s17 =	sand.u32 @!p1 $0x380, s18  }
0x37: {  	s18 =	sand.u32 @!p1 $0x7F, s11;
	s16 =	sor.u32 @!p1 s17, s16  }
0x38: {  	s17 =	sor.u32 @!p1 s18, s16  }
0x39: {  	s18 =	smulhi.u32 @!p1 $0xA0A0A0A1, s17;
	_ =	sdelay $0x1  }
0x3a: {  	s16 =	smulhi.u32 @!p1 $0xA0A0A0A1, s16;
	s18 =	sshrl.u32 @!p1 s18, $0xE  }
0x3b: {  	s18 =	smul.u32 @!p1 $0x6600, s18  }
0x3c: {  	s31 =	sadd.s32 $0xFFFFFFFF, s13;
	s19 =	sxor.u32 @!p1 $0xFFFFFFFF, s13;
	s16 =	sshrl.u32 @!p1 s16, $0xE  }
0x3d: {  	s19 =	sshll.u32 @!p1 s19, $0xE;
	s16 =	sand.u32 @!p1 $0xFFF, s16;
	s17 =	ssub.s32 @!p1 s17, s18  }
0x3e: {  	s16 =	smul.u32 @!p1 $0xCC0, s16;
	s18 =	sshrl.u32 @!p1 s17, $0x3;
	s17 =	sand.u32 @!p1 $0x7, s17  }
0x3f: {  	s19 =	sand.u32 @!p1 $0x4000, s19;
	s18 =	sadd.s32 @!p1 s6, s18;
	s17 =	sshll.u32 @!p1 s17, $0x12  }
0x40: {  	s16 =	sadd.s32 @!p1 s16, s18;
	s17 =	sor.u32 @!p1 $0x400, s17;
	s18 =	simm.s32 @!p1 $0x33000  }
0x41: {  	[tilespmem:s19], [sflag:$0x1] =	stream.strided.gather @!p1 [hbm4b:s16+s17], $0x4000, s18, s17, $0x38;
	[tilespmem:$0x10100] =	vst v63  }
0x42: {  	p1 =	sge.u32 s31, s5  }
.Ltmp2:
0x43: {  	_ = 	snop;
	(pc) =	sbr.rel @p1 .LBB1_5-.Ltmp2, $1  }
0x44: {  	_ =	sdelay $0x3  }
0x45: {  	s16 =	simm.s32 $0x1  }
0x46: {  	_ =	swait.ge [sflag:s4], $0x4000;
	s16 =	simm.s32 @!p0 $0x0  }
0x47: {  	[sflag:s4] =	ssyncset.done $0x0;
	s17 =	sshll.u32 s16, $0xE  }
0x48: {  	[sflag:s4] =	ssyncadd.s32 $0xFFFFC000;
	s17 =	sor.u32 $0x40, s17  }
0x49: {  	s16 =	smul.u32 $0x10200, s16;
	v0 =	vld [tilespmem:s17+$0x30]  }
0x4a: {  	v1 =	vld [tilespmem:s17+$0xFFFFFFD0]  }
0x4b: {  	s16 =	sshrl.u32 s16, $0x2;
	v5 =	vld [tilespmem:s17+$0xFFFFFFE0]  }
0x4c: {  	v6 =	vld [tilespmem:s17+$0xFFFFFFF0];
	s19 =	sor.u32 $0x8000, s16  }
0x4d: {  	s31 =	sand.u32 $0x1, s13;
	v4 =	vld [tilespmem:s17+$0x0];
	s18 =	sadd.s32 $0x0, s19  }
0x4e: {  	v3 =	vld [tilespmem:s17+$0x10];
	s16 =	smul.u32 $0x10200, s31;
	[tilespmem:s18+$0x3870 ss:$0x81] =	vst.msk $0xffff, v0  }
0x4f: {  	v2 =	vld [tilespmem:s17+$0x20];
	[tilespmem:s18+$0x810 ss:$0x81] =	vst.msk $0xffff, v1  }
0x50: {  	s16 =	sshrl.u32 s16, $0x2;
	v1 =	vld [tilespmem:s17+$0xFFFFFFC0];
	[tilespmem:s18+$0x1020 ss:$0x81] =	vst.msk $0xffff, v5;
	s17 =	sadd.s32 $0x80, s17  }
0x51: {  	s20 =	simm.s32 $0x4;
	s21 =	simm.s32 $0x8;
	s16 =	sor.u32 $0x8000, s16;
	[tilespmem:s18+$0x1830 ss:$0x81] =	vst.msk $0xffff, v6;
	v0 =	vld [tilespmem:s17+$0x30]  }
.LBB1_3:
0x52: {  	p1 =	sne.s32 s21, $0x1FC;
	v5 =	vld [tilespmem:s17+$0xFFFFFFD0];
	[tilespmem:s18+$0x2040 ss:$0x81] =	vst.msk $0xffff, v4  }
0x53: {  	v6 =	vld [tilespmem:s17+$0xFFFFFFE0];
	[tilespmem:s18+$0x2850 ss:$0x81] =	vst.msk $0xffff, v3  }
0x54: {  	s22 =	sshra.s32 s20, $0x2;
	s20 =	smov.u32 s21;
	v7 =	vld [tilespmem:s17+$0xFFFFFFF0];
	[tilespmem:s18+$0x3060 ss:$0x81] =	vst.msk $0xffff, v2  }
.Ltmp3:
0x55: {  	v4 =	vld [tilespmem:s17+$0x0];
	[tilespmem:s18+$0x0 ss:$0x81] =	vst.msk $0xffff, v1;
	s18 =	sadd.s32 s22, s19;
	(pc) =	sbr.rel @p1 .LBB1_3-.Ltmp3, $4  }
0x56: {  	v3 =	vld [tilespmem:s17+$0x10];
	[tilespmem:s18+$0x3870 ss:$0x81] =	vst.msk $0xffff, v0  }
0x57: {  	[tilespmem:s18+$0x810 ss:$0x81] =	vst.msk $0xffff, v5;
	v2 =	vld [tilespmem:s17+$0x20]  }
0x58: {  	v1 =	vld [tilespmem:s17+$0xFFFFFFC0];
	[tilespmem:s18+$0x1020 ss:$0x81] =	vst.msk $0xffff, v6;
	s17 =	sadd.s32 $0x80, s17  }
0x59: {  	s21 =	sadd.s32 $0x4, s21;
	v0 =	vld [tilespmem:s17+$0x30];
	[tilespmem:s18+$0x1830 ss:$0x81] =	vst.msk $0xffff, v7  }
.Ltmp4:
0x5a: {  	_ = 	snop;
	(pc) =	sbr.rel .LBB1_4-.Ltmp4, $1  }
0x5b: {  	_ =	sdelay $0x3  }
.LBB1_6:
0x5c: {  	_ =	sfence.sel $0x180000  }
0x5d: {  	s2 =	simm.s32 $0x1;
	[bflag:$0x0] =	sbarrier.arrive $0xFFFF  }
0x5e: {  	s31 =	simm.s32 $0x2;
	[sflag:s2] =	ssyncpa.u1 $0x1  }
0x5f: {  	[sflag:s31] =	ssyncpa.u1 $0x1  }
0x60: {  	p0 =	sne.s32 s0, $0x0;
	_ =	strace $0x9000004A  }
0x61: {  	s0 =	sadd.s32 @!p0 $0x100000, s1;
	[bflag:$0x2] =	sbarrier.arrive $0xFFFF  }
0x62: {  	[sflag:s0] =	ssyncadd.tile.s32 @!p0 $0x1;
	_ =	shalt  }
.Lfunc_end1:
_tile_overlayer_lowered:
.L_overlay_start_2:
0x63: {  	(tag) =	ssettag $0x2  }
0x64: {  	s0 =	rddreg [dreg:$0x0];
	s2 =	stileid.u32  }
0x65: {  	s1 =	rddreg [dreg:$0x1];
	p0 =	sne.s32 s2, $0x0  }
0x66: {  	s3 =	rddreg [dreg:$0x2];
	[bflag:$0x3] =	sbarrier.arrive $0xFFFF;
	s2 =	simm.s32 @!p0 $0x1C01  }
0x67: {  	[timem:s3], [sflag:s2] =	dma.local @!p0 [hbm:s0], s1  }
0x68: {  	s0 =	simm.s32 @!p0 $0x1  }
0x69: {  	_ =	swait.ge @!p0 [sflag:s0], s1  }
0x6a: {  	s1 =	ssub.s32 @!p0 $0x0, s1;
	[sflag:s0] =	ssyncset.done @!p0 $0x0  }
0x6b: {  	[sflag:s0] =	ssyncadd.s32 @!p0 s1  }
0x6c: {  	[bflag:$0x3] =	sbarrier.arrive $0xFFFF  }
0x6d: {  	_ =	shalt  }

</sc_bundles>
